<compile_context>
chip_gen: v7x
topology: tpu7x:2x2x1
jax: 0.10.2.dev20260603
libtpu: 0.0.44.dev20260713+nightly
codegen_flags: <defaults>
</compile_context>

<pallas_src>
import dataclasses
import functools

import jax
import jax.numpy as jnp
from jax import lax
from jax.experimental import pallas as pl
from jax.experimental.pallas import tpu as pltpu
from jax.experimental.pallas import tpu_sc as plsc

N = 10000
E = 160000
D = 256
DH = D // 2
NC = 2
NS = 16
CH = 128
EC = 1280
EPAD = EC * CH
NPAD = 10112
RPT = NPAD // NS
BLK = 16
HR = 80

_mesh = plsc.VectorSubcoreMesh(core_axis_name="c", subcore_axis_name="s")

_cp = pltpu.CompilerParams()
if "needs_layout_passes" in pltpu.CompilerParams.__dataclass_fields__:
    _cp = dataclasses.replace(_cp, needs_layout_passes=False)


@functools.partial(
    pl.kernel,
    out_type=jax.ShapeDtypeStruct((NC, HR, 128), jnp.float32),
    mesh=_mesh,
    compiler_params=_cp,
    scratch_types=[
        pltpu.VMEM((EC // (NC * NS), CH), jnp.int32),
        pltpu.VMEM((HR, 128), jnp.float32),
        pltpu.VMEM((1, HR), jnp.int32),
        pltpu.VMEM_SHARED((HR, 128), jnp.float32),
    ],
)
def _sc_deg(col_hbm, zeros_hbm, iota_hbm, deg_out, idx_v, hist_v, iota_v,
            acc_sh):
    c = lax.axis_index("c")
    s = lax.axis_index("s")
    npt = EC // (NC * NS)
    pltpu.sync_copy(col_hbm.at[pl.ds((c * NS + s) * npt, npt)], idx_v)
    pltpu.sync_copy(zeros_hbm, hist_v)
    pltpu.sync_copy(iota_hbm, iota_v)

    @pl.when(s < 10)
    def _():
        pltpu.sync_copy(zeros_hbm.at[pl.ds(s * 8, 8)],
                        acc_sh.at[pl.ds(s * 8, 8)])

    ones = jnp.ones((16,), jnp.float32)

    @pl.loop(0, npt)
    def _(j):
        for k in range(CH // 16):
            cv = idx_v[j, pl.ds(k * 16, 16)]
            plsc.addupdate_scatter(hist_v, [cv >> 7, cv & 127], ones)

    plsc.subcore_barrier()
    pltpu.sync_copy(hist_v, acc_sh.at[iota_v.at[0]], add=True)
    plsc.subcore_barrier()

    @pl.when(s < 10)
    def _():
        pltpu.sync_copy(acc_sh.at[pl.ds(s * 8, 8)],
                        deg_out.at[c, pl.ds(s * 8, 8)])


_RB = 400


def _linear_body(x_ref, w_ref, degp_ref, h0_ref, h1_ref):
    dp = degp_ref[...]
    d = dp[:, 0] + dp[:, 1]
    dis = jnp.where(d > 0, lax.rsqrt(d), 0.0)
    h = lax.dot_general(x_ref[...], w_ref[...], (((1,), (1,)), ((), ())),
                        preferred_element_type=jnp.float32)
    hs = h * dis[:, None]
    h0_ref[...] = hs[:, :DH]
    h1_ref[...] = hs[:, DH:]


_tc_linear = pl.pallas_call(
    _linear_body,
    grid=(N // _RB,),
    in_specs=[
        pl.BlockSpec((_RB, D), lambda i: (i, 0)),
        pl.BlockSpec((D, D), lambda i: (0, 0)),
        pl.BlockSpec((_RB, NC), lambda i: (i, 0)),
    ],
    out_specs=[
        pl.BlockSpec((_RB, DH), lambda i: (i, 0)),
        pl.BlockSpec((_RB, DH), lambda i: (i, 0)),
    ],
    out_shape=[
        jax.ShapeDtypeStruct((N, DH), jnp.float32),
        jax.ShapeDtypeStruct((N, DH), jnp.float32),
    ],
)


@functools.partial(
    pl.kernel,
    out_type=[
        jax.ShapeDtypeStruct((NPAD, DH), jnp.float32),
        jax.ShapeDtypeStruct((NPAD, DH), jnp.float32),
    ],
    mesh=_mesh,
    scratch_types=[
        pltpu.VMEM((BLK, CH), jnp.int32),
        pltpu.VMEM((BLK, CH), jnp.int32),
        pltpu.VMEM((CH, DH), jnp.float32),
        pltpu.VMEM((CH, DH), jnp.float32),
        pltpu.SemaphoreType.DMA,
        pltpu.SemaphoreType.DMA,
        pltpu.VMEM_SHARED((NPAD, DH), jnp.float32),
    ],
)
def _sc_agg(row_hbm, col_hbm, h0_hbm, h1_hbm, zeros_hbm, agg0, agg1,
            ridx_v, cidx_v, gb0, gb1, sm0, sm1, acc_sh):
    c = lax.axis_index("c")
    s = lax.axis_index("s")
    npt = EC // NS
    gbufs = (gb0, gb1)
    sems = (sm0, sm1)
    pltpu.sync_copy(zeros_hbm.at[pl.ds(s * RPT, RPT)],
                    acc_sh.at[pl.ds(s * RPT, RPT)])
    plsc.subcore_barrier()

    def half(h_hbm, agg_out):
        @pl.loop(0, npt // BLK)
        def _(blk):
            base = s * npt + blk * BLK
            pltpu.sync_copy(row_hbm.at[pl.ds(base, BLK)], ridx_v)
            pltpu.sync_copy(col_hbm.at[pl.ds(base, BLK)], cidx_v)
            pltpu.async_copy(h_hbm.at[ridx_v.at[0]], gb0, sm0)

            @pl.loop(0, BLK, step=2)
            def _(j):
                for b in range(2):
                    jj = j + b

                    @pl.when(jj + 1 < BLK)
                    def _():
                        pltpu.async_copy(h_hbm.at[ridx_v.at[jj + 1]],
                                         gbufs[1 - b], sems[1 - b])

                    pltpu.make_async_copy(h_hbm.at[ridx_v.at[jj]],
                                          gbufs[b], sems[b]).wait()
                    pltpu.sync_copy(gbufs[b], acc_sh.at[cidx_v.at[jj]],
                                    add=True)

        plsc.subcore_barrier()
        pltpu.sync_copy(acc_sh.at[pl.ds(s * RPT, RPT)],
                        agg_out.at[pl.ds(s * RPT, RPT)])

    @pl.when(c == 0)
    def _():
        half(h0_hbm, agg0)

    @pl.when(c == 1)
    def _():
        half(h1_hbm, agg1)


def _out_body(a0_ref, a1_ref, degp_ref, b_ref, o_ref):
    dp = degp_ref[...]
    d = dp[:, 0] + dp[:, 1]
    dis = jnp.where(d > 0, lax.rsqrt(d), 0.0)
    agg = jnp.concatenate([a0_ref[...], a1_ref[...]], axis=1)
    o_ref[...] = agg * dis[:, None] + b_ref[...]


_tc_out = pl.pallas_call(
    _out_body,
    grid=(N // _RB,),
    in_specs=[
        pl.BlockSpec((_RB, DH), lambda i: (i, 0)),
        pl.BlockSpec((_RB, DH), lambda i: (i, 0)),
        pl.BlockSpec((_RB, NC), lambda i: (i, 0)),
        pl.BlockSpec((1, D), lambda i: (0, 0)),
    ],
    out_specs=pl.BlockSpec((_RB, D), lambda i: (i, 0)),
    out_shape=jax.ShapeDtypeStruct((N, D), jnp.float32),
)


def kernel(x, edge_index, W, bias):
    row = edge_index[0]
    col = edge_index[1]
    pad = EPAD - E
    rowp = jnp.pad(row, (0, pad)).reshape(EC, CH)
    colp = jnp.pad(col, (0, pad), constant_values=N).reshape(EC, CH)

    z_deg = jnp.zeros((HR, 128), jnp.float32)
    iota_deg = jnp.arange(HR, dtype=jnp.int32).reshape(1, HR)
    z_agg = jnp.zeros((NPAD, DH), jnp.float32)

    degp = _sc_deg(colp, z_deg, iota_deg)
    degp_n = degp.reshape(NC, HR * 128)[:, :N].T
    h0, h1 = _tc_linear(x, W, degp_n)
    agg0, agg1 = _sc_agg(rowp, colp, h0, h1, z_agg)
    return _tc_out(agg0, agg1, degp_n, bias.reshape(1, D))

# --- scband reference (transcript-rebuilt; emitter-appended) ---
"""Pipeline reference for scband-gcn-46291157516306 (READ-ONLY COPY).

The authoritative reference and input builder live on the scoring server;
editing this copy changes nothing except your own understanding.
"""

import jax, jax.numpy as jnp
import numpy as np

N_NODES = 10000
N_EDGES = 160000
D_IN = 256
D_OUT = 256


def setup_inputs(seed: int = 0) -> dict:
    key = jax.random.key(seed)
    k1, k2, k3 = jax.random.split(key, 3)
    x = jax.random.normal(k1, (N_NODES, D_IN), dtype=jnp.float32)
    edge_index = jax.random.randint(k2, (2, N_EDGES), 0, N_NODES, dtype=jnp.int32)
    # Linear(in_channels, out_channels, bias=False) weight: [out, in]
    bound = 1.0 / np.sqrt(D_IN)
    W = jax.random.uniform(k3, (D_OUT, D_IN), minval=-bound, maxval=bound, dtype=jnp.float32)
    # bias Parameter zero-initialized in reset_parameters
    bias = jnp.zeros((D_OUT,), dtype=jnp.float32)
    return {"x": x, "edge_index": edge_index, "W": W, "bias": bias}


def reference(x, edge_index, W, bias):
    N = x.shape[0]
    # x = self.lin(x)
    h = x @ W.T
    row = edge_index[0]
    col = edge_index[1]
    # deg = degree(col, N)
    deg = jnp.zeros((N,), dtype=h.dtype).at[col].add(jnp.ones((col.shape[0],), dtype=h.dtype))
    # deg_inv_sqrt with inf -> 0
    deg_inv_sqrt = jnp.where(deg > 0, deg ** -0.5, 0.0)
    norm = deg_inv_sqrt[row] * deg_inv_sqrt[col]
    # message: norm.view(-1,1) * x_j, where x_j = h[row]; aggr='add' into col (target)
    msg = norm[:, None] * jnp.take(h, row, axis=0)
    out = jnp.zeros((N, h.shape[1]), dtype=h.dtype).at[col].add(msg)
    out = out + bias
    return out

if __name__ == "__main__":
    import jax
    _d = setup_inputs()
    print(jax.jit(kernel)(*tuple(_d.values())))

</pallas_src>

<mosaic_0001>
#map = affine_map<(d0, d1) -> (0, 0)>
#map1 = affine_map<(d0, d1) -> (0, 0, 0)>
module attributes {stable_mosaic.version = 14 : i64} {
  func.func @_sc_deg(%arg0: i32, %arg1: i32, %arg2: memref<1280x128xi32, #tpu.memory_space<hbm>>, %arg3: memref<80x128xf32, #tpu.memory_space<hbm>>, %arg4: memref<1x80xi32, #tpu.memory_space<hbm>>, %arg5: memref<2x80x128xf32, #tpu.memory_space<hbm>>, %arg6: memref<40x128xi32, #tpu.memory_space<vmem>>, %arg7: memref<80x128xf32, #tpu.memory_space<vmem>>, %arg8: memref<1x80xi32, #tpu.memory_space<vmem>>, %arg9: memref<80x128xf32, #tpu.memory_space<vmem_shared>>) attributes {dimension_semantics = [#tpu.dimension_semantics<core_parallel>, #tpu.dimension_semantics<subcore_parallel>], iteration_bounds = array<i64: 2, 16>, scalar_prefetch = 0 : i64, scratch_operands = 4 : i64, tpu.core_type = #tpu.core_type<sc_vector_subcore>, window_params = [{transform_indices = #map}, {transform_indices = #map}, {transform_indices = #map}, {transform_indices = #map1}]} {
    %mul3A = arith.constant 16 : i32
    %mul3A_0 = arith.muli %arg0, %mul3A : i32
    %add3A = arith.addi %mul3A_0, %arg1 : i32
    %mul3A_1 = arith.constant 40 : i32
    %mul3A_2 = arith.muli %add3A, %mul3A_1 : i32
    "tpu.region"() ({
      %run_scoped3A_16 = tpu.sem_alloc : memref<!tpu.dma_semaphore, #tpu.memory_space<semaphore_mem>>
      %dma_start3A = arith.constant 0 : i32
      %dma_start3A_17 = tpu.memref_slice %arg2[%mul3A_2, %dma_start3A] : memref<1280x128xi32, #tpu.memory_space<hbm>> -> memref<40x128xi32, #tpu.memory_space<hbm>>
      %dma_start3A_18 = arith.constant 0 : i32
      %dma_start3A_19 = tpu.memref_slice %arg2[%mul3A_2, %dma_start3A_18] : memref<1280x128xi32, #tpu.memory_space<hbm>> -> memref<40x128xi32, #tpu.memory_space<hbm>>
      tpu.enqueue_dma source(%dma_start3A_19 : memref<40x128xi32, #tpu.memory_space<hbm>>) target(%arg6 : memref<40x128xi32, #tpu.memory_space<vmem>>) target_semaphore(%run_scoped3A_16 : memref<!tpu.dma_semaphore, #tpu.memory_space<semaphore_mem>>)
      %dma_wait3A = arith.constant 0 : i32
      %dma_wait3A_20 = tpu.memref_slice %arg2[%mul3A_2, %dma_wait3A] : memref<1280x128xi32, #tpu.memory_space<hbm>> -> memref<40x128xi32, #tpu.memory_space<hbm>>
      %dma_wait3A_21 = arith.constant 0 : i32
      %dma_wait3A_22 = tpu.memref_slice %arg2[%mul3A_2, %dma_wait3A_21] : memref<1280x128xi32, #tpu.memory_space<hbm>> -> memref<40x128xi32, #tpu.memory_space<hbm>>
      tpu.wait_dma2 semaphore(%run_scoped3A_16 : memref<!tpu.dma_semaphore, #tpu.memory_space<semaphore_mem>>) src(%dma_wait3A_22 : memref<40x128xi32, #tpu.memory_space<hbm>>) dst(%arg6 : memref<40x128xi32, #tpu.memory_space<vmem>>)
      tpu.yield
    }) : () -> ()
    "tpu.region"() ({
      %run_scoped3A_16 = tpu.sem_alloc : memref<!tpu.dma_semaphore, #tpu.memory_space<semaphore_mem>>
      tpu.enqueue_dma source(%arg3 : memref<80x128xf32, #tpu.memory_space<hbm>>) target(%arg7 : memref<80x128xf32, #tpu.memory_space<vmem>>) target_semaphore(%run_scoped3A_16 : memref<!tpu.dma_semaphore, #tpu.memory_space<semaphore_mem>>)
      tpu.wait_dma2 semaphore(%run_scoped3A_16 : memref<!tpu.dma_semaphore, #tpu.memory_space<semaphore_mem>>) src(%arg3 : memref<80x128xf32, #tpu.memory_space<hbm>>) dst(%arg7 : memref<80x128xf32, #tpu.memory_space<vmem>>)
      tpu.yield
    }) : () -> ()
    "tpu.region"() ({
      %run_scoped3A_16 = tpu.sem_alloc : memref<!tpu.dma_semaphore, #tpu.memory_space<semaphore_mem>>
      tpu.enqueue_dma source(%arg4 : memref<1x80xi32, #tpu.memory_space<hbm>>) target(%arg8 : memref<1x80xi32, #tpu.memory_space<vmem>>) target_semaphore(%run_scoped3A_16 : memref<!tpu.dma_semaphore, #tpu.memory_space<semaphore_mem>>)
      tpu.wait_dma2 semaphore(%run_scoped3A_16 : memref<!tpu.dma_semaphore, #tpu.memory_space<semaphore_mem>>) src(%arg4 : memref<1x80xi32, #tpu.memory_space<hbm>>) dst(%arg8 : memref<1x80xi32, #tpu.memory_space<vmem>>)
      tpu.yield
    }) : () -> ()
    %lt3A = arith.constant 10 : i32
    %lt3A_3 = arith.cmpi slt, %arg1, %lt3A : i32
    %convert_element_type3A = arith.extui %lt3A_3 : i1 to i32
    %cond3A = arith.constant 0 : i32
    %cond3A_4 = arith.cmpi ne, %convert_element_type3A, %cond3A : i32
    scf.if %cond3A_4 {
      %mul3A_16 = arith.constant 8 : i32
      %mul3A_17 = arith.muli %arg1, %mul3A_16 : i32
      %mul3A_18 = arith.constant 8 : i32
      %mul3A_19 = arith.muli %arg1, %mul3A_18 : i32
      "tpu.region"() ({
        %run_scoped3A_20 = tpu.sem_alloc : memref<!tpu.dma_semaphore, #tpu.memory_space<semaphore_mem>>
        %dma_start3A = arith.constant 0 : i32
        %dma_start3A_21 = tpu.memref_slice %arg9[%mul3A_19, %dma_start3A] : memref<80x128xf32, #tpu.memory_space<vmem_shared>> -> memref<8x128xf32, #tpu.memory_space<vmem_shared>>
        %dma_start3A_22 = arith.constant 0 : i32
        %dma_start3A_23 = tpu.memref_slice %arg3[%mul3A_17, %dma_start3A_22] : memref<80x128xf32, #tpu.memory_space<hbm>> -> memref<8x128xf32, #tpu.memory_space<hbm>>
        tpu.enqueue_dma source(%dma_start3A_23 : memref<8x128xf32, #tpu.memory_space<hbm>>) target(%dma_start3A_21 : memref<8x128xf32, #tpu.memory_space<vmem_shared>>) target_semaphore(%run_scoped3A_20 : memref<!tpu.dma_semaphore, #tpu.memory_space<semaphore_mem>>)
        %dma_wait3A = arith.constant 0 : i32
        %dma_wait3A_24 = tpu.memref_slice %arg9[%mul3A_19, %dma_wait3A] : memref<80x128xf32, #tpu.memory_space<vmem_shared>> -> memref<8x128xf32, #tpu.memory_space<vmem_shared>>
        %dma_wait3A_25 = arith.constant 0 : i32
        %dma_wait3A_26 = tpu.memref_slice %arg3[%mul3A_17, %dma_wait3A_25] : memref<80x128xf32, #tpu.memory_space<hbm>> -> memref<8x128xf32, #tpu.memory_space<hbm>>
        tpu.wait_dma2 semaphore(%run_scoped3A_20 : memref<!tpu.dma_semaphore, #tpu.memory_space<semaphore_mem>>) src(%dma_wait3A_26 : memref<8x128xf32, #tpu.memory_space<hbm>>) dst(%dma_wait3A_24 : memref<8x128xf32, #tpu.memory_space<vmem_shared>>)
        tpu.yield
      }) : () -> ()
    } else {
    }
    %broadcast_in_dim3A = arith.constant 1.000000e+00 : f32
    %broadcast_in_dim3A_5 = vector.broadcast %broadcast_in_dim3A : f32 to vector<16xf32>
    %scan3A = arith.constant 0 : i32
    %scan3A_6 = arith.constant 40 : i32
    %scan3A_7 = arith.addi %scan3A, %scan3A_6 : i32
    %scan3A_8 = arith.constant 1 : i32
    scf.for %scan3A_16 = %scan3A to %scan3A_7 step %scan3A_8  : i32 {
      %mul3A_17 = arith.constant 1 : i32
      %mul3A_18 = arith.muli %scan3A_16, %mul3A_17 : i32
      %add3A_19 = arith.constant 0 : i32
      %add3A_20 = arith.addi %add3A_19, %mul3A_18 : i32
      %get3A = arith.index_cast %add3A_20 : i32 to index
      %get3A_21 = arith.constant 0 : index
      %get3A_22 = tpu.vector_load %arg6[%get3A, %get3A_21] {strides = array<i32>} : memref<40x128xi32, #tpu.memory_space<vmem>>, vector<16xi32>,
      %shift_right_arithmetic3A = arith.constant 7 : i32
      %shift_right_arithmetic3A_23 = vector.broadcast %shift_right_arithmetic3A : i32 to vector<16xi32>
      %shift_right_arithmetic3A_24 = arith.shrsi %get3A_22, %shift_right_arithmetic3A_23 : vector<16xi32>
      %and3A = arith.constant 127 : i32
      %and3A_25 = vector.broadcast %and3A : i32 to vector<16xi32>
      %and3A_26 = arith.andi %get3A_22, %and3A_25 : vector<16xi32>
      tpu.vector_store_idx %arg7[%shift_right_arithmetic3A_24, %and3A_26], %broadcast_in_dim3A_5 {add = true} : memref<80x128xf32, #tpu.memory_space<vmem>>[vector<16xi32>, vector<16xi32>], vector<16xf32>,
      %get3A_27 = arith.index_cast %add3A_20 : i32 to index
      %get3A_28 = arith.constant 16 : index
      %get3A_29 = tpu.vector_load %arg6[%get3A_27, %get3A_28] {strides = array<i32>} : memref<40x128xi32, #tpu.memory_space<vmem>>, vector<16xi32>,
      %shift_right_arithmetic3A_30 = arith.constant 7 : i32
      %shift_right_arithmetic3A_31 = vector.broadcast %shift_right_arithmetic3A_30 : i32 to vector<16xi32>
      %shift_right_arithmetic3A_32 = arith.shrsi %get3A_29, %shift_right_arithmetic3A_31 : vector<16xi32>
      %and3A_33 = arith.constant 127 : i32
      %and3A_34 = vector.broadcast %and3A_33 : i32 to vector<16xi32>
      %and3A_35 = arith.andi %get3A_29, %and3A_34 : vector<16xi32>
      tpu.vector_store_idx %arg7[%shift_right_arithmetic3A_32, %and3A_35], %broadcast_in_dim3A_5 {add = true} : memref<80x128xf32, #tpu.memory_space<vmem>>[vector<16xi32>, vector<16xi32>], vector<16xf32>,
      %get3A_36 = arith.index_cast %add3A_20 : i32 to index
      %get3A_37 = arith.constant 32 : index
      %get3A_38 = tpu.vector_load %arg6[%get3A_36, %get3A_37] {strides = array<i32>} : memref<40x128xi32, #tpu.memory_space<vmem>>, vector<16xi32>,
      %shift_right_arithmetic3A_39 = arith.constant 7 : i32
      %shift_right_arithmetic3A_40 = vector.broadcast %shift_right_arithmetic3A_39 : i32 to vector<16xi32>
      %shift_right_arithmetic3A_41 = arith.shrsi %get3A_38, %shift_right_arithmetic3A_40 : vector<16xi32>
      %and3A_42 = arith.constant 127 : i32
      %and3A_43 = vector.broadcast %and3A_42 : i32 to vector<16xi32>
      %and3A_44 = arith.andi %get3A_38, %and3A_43 : vector<16xi32>
      tpu.vector_store_idx %arg7[%shift_right_arithmetic3A_41, %and3A_44], %broadcast_in_dim3A_5 {add = true} : memref<80x128xf32, #tpu.memory_space<vmem>>[vector<16xi32>, vector<16xi32>], vector<16xf32>,
      %get3A_45 = arith.index_cast %add3A_20 : i32 to index
      %get3A_46 = arith.constant 48 : index
      %get3A_47 = tpu.vector_load %arg6[%get3A_45, %get3A_46] {strides = array<i32>} : memref<40x128xi32, #tpu.memory_space<vmem>>, vector<16xi32>,
      %shift_right_arithmetic3A_48 = arith.constant 7 : i32
      %shift_right_arithmetic3A_49 = vector.broadcast %shift_right_arithmetic3A_48 : i32 to vector<16xi32>
      %shift_right_arithmetic3A_50 = arith.shrsi %get3A_47, %shift_right_arithmetic3A_49 : vector<16xi32>
      %and3A_51 = arith.constant 127 : i32
      %and3A_52 = vector.broadcast %and3A_51 : i32 to vector<16xi32>
      %and3A_53 = arith.andi %get3A_47, %and3A_52 : vector<16xi32>
      tpu.vector_store_idx %arg7[%shift_right_arithmetic3A_50, %and3A_53], %broadcast_in_dim3A_5 {add = true} : memref<80x128xf32, #tpu.memory_space<vmem>>[vector<16xi32>, vector<16xi32>], vector<16xf32>,
      %get3A_54 = arith.index_cast %add3A_20 : i32 to index
      %get3A_55 = arith.constant 64 : index
      %get3A_56 = tpu.vector_load %arg6[%get3A_54, %get3A_55] {strides = array<i32>} : memref<40x128xi32, #tpu.memory_space<vmem>>, vector<16xi32>,
      %shift_right_arithmetic3A_57 = arith.constant 7 : i32
      %shift_right_arithmetic3A_58 = vector.broadcast %shift_right_arithmetic3A_57 : i32 to vector<16xi32>
      %shift_right_arithmetic3A_59 = arith.shrsi %get3A_56, %shift_right_arithmetic3A_58 : vector<16xi32>
      %and3A_60 = arith.constant 127 : i32
      %and3A_61 = vector.broadcast %and3A_60 : i32 to vector<16xi32>
      %and3A_62 = arith.andi %get3A_56, %and3A_61 : vector<16xi32>
      tpu.vector_store_idx %arg7[%shift_right_arithmetic3A_59, %and3A_62], %broadcast_in_dim3A_5 {add = true} : memref<80x128xf32, #tpu.memory_space<vmem>>[vector<16xi32>, vector<16xi32>], vector<16xf32>,
      %get3A_63 = arith.index_cast %add3A_20 : i32 to index
      %get3A_64 = arith.constant 80 : index
      %get3A_65 = tpu.vector_load %arg6[%get3A_63, %get3A_64] {strides = array<i32>} : memref<40x128xi32, #tpu.memory_space<vmem>>, vector<16xi32>,
      %shift_right_arithmetic3A_66 = arith.constant 7 : i32
      %shift_right_arithmetic3A_67 = vector.broadcast %shift_right_arithmetic3A_66 : i32 to vector<16xi32>
      %shift_right_arithmetic3A_68 = arith.shrsi %get3A_65, %shift_right_arithmetic3A_67 : vector<16xi32>
      %and3A_69 = arith.constant 127 : i32
      %and3A_70 = vector.broadcast %and3A_69 : i32 to vector<16xi32>
      %and3A_71 = arith.andi %get3A_65, %and3A_70 : vector<16xi32>
      tpu.vector_store_idx %arg7[%shift_right_arithmetic3A_68, %and3A_71], %broadcast_in_dim3A_5 {add = true} : memref<80x128xf32, #tpu.memory_space<vmem>>[vector<16xi32>, vector<16xi32>], vector<16xf32>,
      %get3A_72 = arith.index_cast %add3A_20 : i32 to index
      %get3A_73 = arith.constant 96 : index
      %get3A_74 = tpu.vector_load %arg6[%get3A_72, %get3A_73] {strides = array<i32>} : memref<40x128xi32, #tpu.memory_space<vmem>>, vector<16xi32>,
      %shift_right_arithmetic3A_75 = arith.constant 7 : i32
      %shift_right_arithmetic3A_76 = vector.broadcast %shift_right_arithmetic3A_75 : i32 to vector<16xi32>
      %shift_right_arithmetic3A_77 = arith.shrsi %get3A_74, %shift_right_arithmetic3A_76 : vector<16xi32>
      %and3A_78 = arith.constant 127 : i32
      %and3A_79 = vector.broadcast %and3A_78 : i32 to vector<16xi32>
      %and3A_80 = arith.andi %get3A_74, %and3A_79 : vector<16xi32>
      tpu.vector_store_idx %arg7[%shift_right_arithmetic3A_77, %and3A_80], %broadcast_in_dim3A_5 {add = true} : memref<80x128xf32, #tpu.memory_space<vmem>>[vector<16xi32>, vector<16xi32>], vector<16xf32>,
      %get3A_81 = arith.index_cast %add3A_20 : i32 to index
      %get3A_82 = arith.constant 112 : index
      %get3A_83 = tpu.vector_load %arg6[%get3A_81, %get3A_82] {strides = array<i32>} : memref<40x128xi32, #tpu.memory_space<vmem>>, vector<16xi32>,
      %shift_right_arithmetic3A_84 = arith.constant 7 : i32
      %shift_right_arithmetic3A_85 = vector.broadcast %shift_right_arithmetic3A_84 : i32 to vector<16xi32>
      %shift_right_arithmetic3A_86 = arith.shrsi %get3A_83, %shift_right_arithmetic3A_85 : vector<16xi32>
      %and3A_87 = arith.constant 127 : i32
      %and3A_88 = vector.broadcast %and3A_87 : i32 to vector<16xi32>
      %and3A_89 = arith.andi %get3A_83, %and3A_88 : vector<16xi32>
      tpu.vector_store_idx %arg7[%shift_right_arithmetic3A_86, %and3A_89], %broadcast_in_dim3A_5 {add = true} : memref<80x128xf32, #tpu.memory_space<vmem>>[vector<16xi32>, vector<16xi32>], vector<16xf32>,
    }
    %scan3A_9 = arith.constant 40 : i32
    %barrier3A = arith.constant 0 : index
    tpu.barrier barrier_id(%barrier3A)
    %run_scoped3A = arith.constant 0 : i32
    "tpu.region"() ({
      %run_scoped3A_16 = tpu.sem_alloc : memref<!tpu.dma_semaphore, #tpu.memory_space<semaphore_mem>>
      %dma_start3A = arith.constant 0 : i32
      %dma_start3A_17 = tpu.memref_slice %arg8[%run_scoped3A, %dma_start3A] : memref<1x80xi32, #tpu.memory_space<vmem>> -> memref<1x80xi32, #tpu.memory_space<vmem>>
      %dma_start3A_18 = tpu.memref_squeeze %dma_start3A_17 : memref<1x80xi32, #tpu.memory_space<vmem>> -> memref<80xi32, #tpu.memory_space<vmem>>
      %dma_start3A_19 = arith.constant 0 : i32
      %dma_start3A_20 = arith.constant 0 : i32
      %dma_start3A_21 = tpu.memref_slice %arg9[%dma_start3A_19, %dma_start3A_20] : memref<80x128xf32, #tpu.memory_space<vmem_shared>> -> memref<80x128xf32, #tpu.memory_space<vmem_shared>>
      tpu.enqueue_indirect_dma source(%arg7 : memref<80x128xf32, #tpu.memory_space<vmem>>) target(%dma_start3A_21 : memref<80x128xf32, #tpu.memory_space<vmem_shared>>) offsets(%dma_start3A_18 : memref<80xi32, #tpu.memory_space<vmem>>) semaphore(%run_scoped3A_16 : memref<!tpu.dma_semaphore, #tpu.memory_space<semaphore_mem>>) {add = true}
      %dma_wait3A = arith.constant 0 : i32
      %dma_wait3A_22 = tpu.memref_slice %arg8[%run_scoped3A, %dma_wait3A] : memref<1x80xi32, #tpu.memory_space<vmem>> -> memref<1x80xi32, #tpu.memory_space<vmem>>
      %dma_wait3A_23 = tpu.memref_squeeze %dma_wait3A_22 : memref<1x80xi32, #tpu.memory_space<vmem>> -> memref<80xi32, #tpu.memory_space<vmem>>
      %dma_wait3A_24 = arith.constant 0 : i32
      %dma_wait3A_25 = arith.constant 0 : i32
      %dma_wait3A_26 = tpu.memref_slice %arg9[%dma_wait3A_24, %dma_wait3A_25] : memref<80x128xf32, #tpu.memory_space<vmem_shared>> -> memref<80x128xf32, #tpu.memory_space<vmem_shared>>
      tpu.wait_indirect_dma semaphore(%run_scoped3A_16 : memref<!tpu.dma_semaphore, #tpu.memory_space<semaphore_mem>>) src(%arg7 : memref<80x128xf32, #tpu.memory_space<vmem>>) dst(%dma_wait3A_26 : memref<80x128xf32, #tpu.memory_space<vmem_shared>>)
      tpu.yield
    }) : () -> ()
    %barrier3A_10 = arith.constant 0 : index
    tpu.barrier barrier_id(%barrier3A_10)
    %lt3A_11 = arith.constant 10 : i32
    %lt3A_12 = arith.cmpi slt, %arg1, %lt3A_11 : i32
    %convert_element_type3A_13 = arith.extui %lt3A_12 : i1 to i32
    %cond3A_14 = arith.constant 0 : i32
    %cond3A_15 = arith.cmpi ne, %convert_element_type3A_13, %cond3A_14 : i32
    scf.if %cond3A_15 {
      %mul3A_16 = arith.constant 8 : i32
      %mul3A_17 = arith.muli %arg1, %mul3A_16 : i32
      %mul3A_18 = arith.constant 8 : i32
      %mul3A_19 = arith.muli %arg1, %mul3A_18 : i32
      "tpu.region"() ({
        %run_scoped3A_20 = tpu.sem_alloc : memref<!tpu.dma_semaphore, #tpu.memory_space<semaphore_mem>>
        %dma_start3A = arith.constant 0 : i32
        %dma_start3A_21 = tpu.memref_slice %arg5[%arg0, %mul3A_19, %dma_start3A] : memref<2x80x128xf32, #tpu.memory_space<hbm>> -> memref<1x8x128xf32, #tpu.memory_space<hbm>>
        %dma_start3A_22 = tpu.memref_squeeze %dma_start3A_21 : memref<1x8x128xf32, #tpu.memory_space<hbm>> -> memref<8x128xf32, #tpu.memory_space<hbm>>
        %dma_start3A_23 = arith.constant 0 : i32
        %dma_start3A_24 = tpu.memref_slice %arg9[%mul3A_17, %dma_start3A_23] : memref<80x128xf32, #tpu.memory_space<vmem_shared>> -> memref<8x128xf32, #tpu.memory_space<vmem_shared>>
        tpu.enqueue_dma source(%dma_start3A_24 : memref<8x128xf32, #tpu.memory_space<vmem_shared>>) target(%dma_start3A_22 : memref<8x128xf32, #tpu.memory_space<hbm>>) target_semaphore(%run_scoped3A_20 : memref<!tpu.dma_semaphore, #tpu.memory_space<semaphore_mem>>)
        %dma_wait3A = arith.constant 0 : i32
        %dma_wait3A_25 = tpu.memref_slice %arg5[%arg0, %mul3A_19, %dma_wait3A] : memref<2x80x128xf32, #tpu.memory_space<hbm>> -> memref<1x8x128xf32, #tpu.memory_space<hbm>>
        %dma_wait3A_26 = tpu.memref_squeeze %dma_wait3A_25 : memref<1x8x128xf32, #tpu.memory_space<hbm>> -> memref<8x128xf32, #tpu.memory_space<hbm>>
        %dma_wait3A_27 = arith.constant 0 : i32
        %dma_wait3A_28 = tpu.memref_slice %arg9[%mul3A_17, %dma_wait3A_27] : memref<80x128xf32, #tpu.memory_space<vmem_shared>> -> memref<8x128xf32, #tpu.memory_space<vmem_shared>>
        tpu.wait_dma2 semaphore(%run_scoped3A_20 : memref<!tpu.dma_semaphore, #tpu.memory_space<semaphore_mem>>) src(%dma_wait3A_28 : memref<8x128xf32, #tpu.memory_space<vmem_shared>>) dst(%dma_wait3A_26 : memref<8x128xf32, #tpu.memory_space<hbm>>)
        tpu.yield
      }) : () -> ()
    } else {
    }
    return
  }
}

#map = affine_map<(d0, d1) -> (0, 0)>
module attributes {stable_mosaic.version = 14 : i64} {
  func.func @_sc_agg(%arg0: i32, %arg1: i32, %arg2: memref<1280x128xi32, #tpu.memory_space<hbm>>, %arg3: memref<1280x128xi32, #tpu.memory_space<hbm>>, %arg4: memref<10000x128xf32, #tpu.memory_space<hbm>>, %arg5: memref<10000x128xf32, #tpu.memory_space<hbm>>, %arg6: memref<10112x128xf32, #tpu.memory_space<hbm>>, %arg7: memref<10112x128xf32, #tpu.memory_space<hbm>>, %arg8: memref<10112x128xf32, #tpu.memory_space<hbm>>, %arg9: memref<16x128xi32, #tpu.memory_space<vmem>>, %arg10: memref<16x128xi32, #tpu.memory_space<vmem>>, %arg11: memref<128x128xf32, #tpu.memory_space<vmem>>, %arg12: memref<128x128xf32, #tpu.memory_space<vmem>>, %arg13: memref<!tpu.dma_semaphore, #tpu.memory_space<semaphore_mem>>, %arg14: memref<!tpu.dma_semaphore, #tpu.memory_space<semaphore_mem>>, %arg15: memref<10112x128xf32, #tpu.memory_space<vmem_shared>>) attributes {dimension_semantics = [#tpu.dimension_semantics<core_parallel>, #tpu.dimension_semantics<subcore_parallel>], iteration_bounds = array<i64: 2, 16>, scalar_prefetch = 0 : i64, scratch_operands = 7 : i64, tpu.core_type = #tpu.core_type<sc_vector_subcore>, window_params = [{transform_indices = #map}, {transform_indices = #map}, {transform_indices = #map}, {transform_indices = #map}, {transform_indices = #map}, {transform_indices = #map}, {transform_indices = #map}]} {
    %mul3A = arith.constant 632 : i32
    %mul3A_0 = arith.muli %arg1, %mul3A : i32
    %mul3A_1 = arith.constant 632 : i32
    %mul3A_2 = arith.muli %arg1, %mul3A_1 : i32
    "tpu.region"() ({
      %run_scoped3A = tpu.sem_alloc : memref<!tpu.dma_semaphore, #tpu.memory_space<semaphore_mem>>
      %dma_start3A = arith.constant 0 : i32
      %dma_start3A_10 = tpu.memref_slice %arg15[%mul3A_2, %dma_start3A] : memref<10112x128xf32, #tpu.memory_space<vmem_shared>> -> memref<632x128xf32, #tpu.memory_space<vmem_shared>>
      %dma_start3A_11 = arith.constant 0 : i32
      %dma_start3A_12 = tpu.memref_slice %arg6[%mul3A_0, %dma_start3A_11] : memref<10112x128xf32, #tpu.memory_space<hbm>> -> memref<632x128xf32, #tpu.memory_space<hbm>>
      tpu.enqueue_dma source(%dma_start3A_12 : memref<632x128xf32, #tpu.memory_space<hbm>>) target(%dma_start3A_10 : memref<632x128xf32, #tpu.memory_space<vmem_shared>>) target_semaphore(%run_scoped3A : memref<!tpu.dma_semaphore, #tpu.memory_space<semaphore_mem>>)
      %dma_wait3A = arith.constant 0 : i32
      %dma_wait3A_13 = tpu.memref_slice %arg15[%mul3A_2, %dma_wait3A] : memref<10112x128xf32, #tpu.memory_space<vmem_shared>> -> memref<632x128xf32, #tpu.memory_space<vmem_shared>>
      %dma_wait3A_14 = arith.constant 0 : i32
      %dma_wait3A_15 = tpu.memref_slice %arg6[%mul3A_0, %dma_wait3A_14] : memref<10112x128xf32, #tpu.memory_space<hbm>> -> memref<632x128xf32, #tpu.memory_space<hbm>>
      tpu.wait_dma2 semaphore(%run_scoped3A : memref<!tpu.dma_semaphore, #tpu.memory_space<semaphore_mem>>) src(%dma_wait3A_15 : memref<632x128xf32, #tpu.memory_space<hbm>>) dst(%dma_wait3A_13 : memref<632x128xf32, #tpu.memory_space<vmem_shared>>)
      tpu.yield
    }) : () -> ()
    %barrier3A = arith.constant 0 : index
    tpu.barrier barrier_id(%barrier3A)
    %eq3A = arith.constant 0 : i32
    %eq3A_3 = arith.cmpi eq, %arg0, %eq3A : i32
    %convert_element_type3A = arith.extui %eq3A_3 : i1 to i32
    %cond3A = arith.constant 0 : i32
    %cond3A_4 = arith.cmpi ne, %convert_element_type3A, %cond3A : i32
    scf.if %cond3A_4 {
      %scan3A = arith.constant 0 : i32
      %scan3A_10 = arith.constant 5 : i32
      %scan3A_11 = arith.addi %scan3A, %scan3A_10 : i32
      %scan3A_12 = arith.constant 1 : i32
      scf.for %scan3A_19 = %scan3A to %scan3A_11 step %scan3A_12  : i32 {
        %mul3A_20 = arith.constant 1 : i32
        %mul3A_21 = arith.muli %scan3A_19, %mul3A_20 : i32
        %add3A = arith.constant 0 : i32
        %add3A_22 = arith.addi %add3A, %mul3A_21 : i32
        %mul3A_23 = arith.constant 80 : i32
        %mul3A_24 = arith.muli %arg1, %mul3A_23 : i32
        %mul3A_25 = arith.constant 16 : i32
        %mul3A_26 = arith.muli %add3A_22, %mul3A_25 : i32
        %add3A_27 = arith.addi %mul3A_24, %mul3A_26 : i32
        "tpu.region"() ({
          %run_scoped3A = tpu.sem_alloc : memref<!tpu.dma_semaphore, #tpu.memory_space<semaphore_mem>>
          %dma_start3A_39 = arith.constant 0 : i32
          %dma_start3A_40 = tpu.memref_slice %arg2[%add3A_27, %dma_start3A_39] : memref<1280x128xi32, #tpu.memory_space<hbm>> -> memref<16x128xi32, #tpu.memory_space<hbm>>
          %dma_start3A_41 = arith.constant 0 : i32
          %dma_start3A_42 = tpu.memref_slice %arg2[%add3A_27, %dma_start3A_41] : memref<1280x128xi32, #tpu.memory_space<hbm>> -> memref<16x128xi32, #tpu.memory_space<hbm>>
          tpu.enqueue_dma source(%dma_start3A_42 : memref<16x128xi32, #tpu.memory_space<hbm>>) target(%arg9 : memref<16x128xi32, #tpu.memory_space<vmem>>) target_semaphore(%run_scoped3A : memref<!tpu.dma_semaphore, #tpu.memory_space<semaphore_mem>>)
          %dma_wait3A = arith.constant 0 : i32
          %dma_wait3A_43 = tpu.memref_slice %arg2[%add3A_27, %dma_wait3A] : memref<1280x128xi32, #tpu.memory_space<hbm>> -> memref<16x128xi32, #tpu.memory_space<hbm>>
          %dma_wait3A_44 = arith.constant 0 : i32
          %dma_wait3A_45 = tpu.memref_slice %arg2[%add3A_27, %dma_wait3A_44] : memref<1280x128xi32, #tpu.memory_space<hbm>> -> memref<16x128xi32, #tpu.memory_space<hbm>>
          tpu.wait_dma2 semaphore(%run_scoped3A : memref<!tpu.dma_semaphore, #tpu.memory_space<semaphore_mem>>) src(%dma_wait3A_45 : memref<16x128xi32, #tpu.memory_space<hbm>>) dst(%arg9 : memref<16x128xi32, #tpu.memory_space<vmem>>)
          tpu.yield
        }) : () -> ()
        "tpu.region"() ({
          %run_scoped3A = tpu.sem_alloc : memref<!tpu.dma_semaphore, #tpu.memory_space<semaphore_mem>>
          %dma_start3A_39 = arith.constant 0 : i32
          %dma_start3A_40 = tpu.memref_slice %arg3[%add3A_27, %dma_start3A_39] : memref<1280x128xi32, #tpu.memory_space<hbm>> -> memref<16x128xi32, #tpu.memory_space<hbm>>
          %dma_start3A_41 = arith.constant 0 : i32
          %dma_start3A_42 = tpu.memref_slice %arg3[%add3A_27, %dma_start3A_41] : memref<1280x128xi32, #tpu.memory_space<hbm>> -> memref<16x128xi32, #tpu.memory_space<hbm>>
          tpu.enqueue_dma source(%dma_start3A_42 : memref<16x128xi32, #tpu.memory_space<hbm>>) target(%arg10 : memref<16x128xi32, #tpu.memory_space<vmem>>) target_semaphore(%run_scoped3A : memref<!tpu.dma_semaphore, #tpu.memory_space<semaphore_mem>>)
          %dma_wait3A = arith.constant 0 : i32
          %dma_wait3A_43 = tpu.memref_slice %arg3[%add3A_27, %dma_wait3A] : memref<1280x128xi32, #tpu.memory_space<hbm>> -> memref<16x128xi32, #tpu.memory_space<hbm>>
          %dma_wait3A_44 = arith.constant 0 : i32
          %dma_wait3A_45 = tpu.memref_slice %arg3[%add3A_27, %dma_wait3A_44] : memref<1280x128xi32, #tpu.memory_space<hbm>> -> memref<16x128xi32, #tpu.memory_space<hbm>>
          tpu.wait_dma2 semaphore(%run_scoped3A : memref<!tpu.dma_semaphore, #tpu.memory_space<semaphore_mem>>) src(%dma_wait3A_45 : memref<16x128xi32, #tpu.memory_space<hbm>>) dst(%arg10 : memref<16x128xi32, #tpu.memory_space<vmem>>)
          tpu.yield
        }) : () -> ()
        %dma_start3A = arith.constant 0 : i32
        %dma_start3A_28 = arith.constant 0 : i32
        %dma_start3A_29 = tpu.memref_slice %arg9[%dma_start3A, %dma_start3A_28] : memref<16x128xi32, #tpu.memory_space<vmem>> -> memref<1x128xi32, #tpu.memory_space<vmem>>
        %dma_start3A_30 = tpu.memref_squeeze %dma_start3A_29 : memref<1x128xi32, #tpu.memory_space<vmem>> -> memref<128xi32, #tpu.memory_space<vmem>>
        %dma_start3A_31 = arith.constant 0 : i32
        %dma_start3A_32 = arith.constant 0 : i32
        %dma_start3A_33 = tpu.memref_slice %arg4[%dma_start3A_31, %dma_start3A_32] : memref<10000x128xf32, #tpu.memory_space<hbm>> -> memref<10000x128xf32, #tpu.memory_space<hbm>>
        tpu.enqueue_indirect_dma source(%dma_start3A_33 : memref<10000x128xf32, #tpu.memory_space<hbm>>) target(%arg11 : memref<128x128xf32, #tpu.memory_space<vmem>>) offsets(%dma_start3A_30 : memref<128xi32, #tpu.memory_space<vmem>>) semaphore(%arg13 : memref<!tpu.dma_semaphore, #tpu.memory_space<semaphore_mem>>)
        %scan3A_34 = arith.constant 0 : i32
        %scan3A_35 = arith.constant 8 : i32
        %scan3A_36 = arith.addi %scan3A_34, %scan3A_35 : i32
        %scan3A_37 = arith.constant 1 : i32
        scf.for %scan3A_39 = %scan3A_34 to %scan3A_36 step %scan3A_37  : i32 {
          %mul3A_40 = arith.constant 2 : i32
          %mul3A_41 = arith.muli %scan3A_39, %mul3A_40 : i32
          %add3A_42 = arith.constant 0 : i32
          %add3A_43 = arith.addi %add3A_42, %mul3A_41 : i32
          %add3A_44 = arith.constant 0 : i32
          %add3A_45 = arith.addi %add3A_43, %add3A_44 : i32
          %add3A_46 = arith.constant 1 : i32
          %add3A_47 = arith.addi %add3A_45, %add3A_46 : i32
          %lt3A = arith.constant 16 : i32
          %lt3A_48 = arith.cmpi slt, %add3A_47, %lt3A : i32
          %convert_element_type3A_49 = arith.extui %lt3A_48 : i1 to i32
          %cond3A_50 = arith.constant 0 : i32
          %cond3A_51 = arith.cmpi ne, %convert_element_type3A_49, %cond3A_50 : i32
          scf.if %cond3A_51 {
            %add3A_72 = arith.constant 1 : i32
            %add3A_73 = arith.addi %add3A_45, %add3A_72 : i32
            %dma_start3A_74 = arith.constant 0 : i32
            %dma_start3A_75 = tpu.memref_slice %arg9[%add3A_73, %dma_start3A_74] : memref<16x128xi32, #tpu.memory_space<vmem>> -> memref<1x128xi32, #tpu.memory_space<vmem>>
            %dma_start3A_76 = tpu.memref_squeeze %dma_start3A_75 : memref<1x128xi32, #tpu.memory_space<vmem>> -> memref<128xi32, #tpu.memory_space<vmem>>
            %dma_start3A_77 = arith.constant 0 : i32
            %dma_start3A_78 = arith.constant 0 : i32
            %dma_start3A_79 = tpu.memref_slice %arg4[%dma_start3A_77, %dma_start3A_78] : memref<10000x128xf32, #tpu.memory_space<hbm>> -> memref<10000x128xf32, #tpu.memory_space<hbm>>
            tpu.enqueue_indirect_dma source(%dma_start3A_79 : memref<10000x128xf32, #tpu.memory_space<hbm>>) target(%arg12 : memref<128x128xf32, #tpu.memory_space<vmem>>) offsets(%dma_start3A_76 : memref<128xi32, #tpu.memory_space<vmem>>) semaphore(%arg14 : memref<!tpu.dma_semaphore, #tpu.memory_space<semaphore_mem>>)
          } else {
          }
          %dma_wait3A = arith.constant 0 : i32
          %dma_wait3A_52 = tpu.memref_slice %arg9[%add3A_45, %dma_wait3A] : memref<16x128xi32, #tpu.memory_space<vmem>> -> memref<1x128xi32, #tpu.memory_space<vmem>>
          %dma_wait3A_53 = tpu.memref_squeeze %dma_wait3A_52 : memref<1x128xi32, #tpu.memory_space<vmem>> -> memref<128xi32, #tpu.memory_space<vmem>>
          %dma_wait3A_54 = arith.constant 0 : i32
          %dma_wait3A_55 = arith.constant 0 : i32
          %dma_wait3A_56 = tpu.memref_slice %arg4[%dma_wait3A_54, %dma_wait3A_55] : memref<10000x128xf32, #tpu.memory_space<hbm>> -> memref<10000x128xf32, #tpu.memory_space<hbm>>
          tpu.wait_indirect_dma semaphore(%arg13 : memref<!tpu.dma_semaphore, #tpu.memory_space<semaphore_mem>>) src(%dma_wait3A_56 : memref<10000x128xf32, #tpu.memory_space<hbm>>) dst(%arg11 : memref<128x128xf32, #tpu.memory_space<vmem>>)
          "tpu.region"() ({
            %run_scoped3A = tpu.sem_alloc : memref<!tpu.dma_semaphore, #tpu.memory_space<semaphore_mem>>
            %dma_start3A_72 = arith.constant 0 : i32
            %dma_start3A_73 = tpu.memref_slice %arg10[%add3A_45, %dma_start3A_72] : memref<16x128xi32, #tpu.memory_space<vmem>> -> memref<1x128xi32, #tpu.memory_space<vmem>>
            %dma_start3A_74 = tpu.memref_squeeze %dma_start3A_73 : memref<1x128xi32, #tpu.memory_space<vmem>> -> memref<128xi32, #tpu.memory_space<vmem>>
            %dma_start3A_75 = arith.constant 0 : i32
            %dma_start3A_76 = arith.constant 0 : i32
            %dma_start3A_77 = tpu.memref_slice %arg15[%dma_start3A_75, %dma_start3A_76] : memref<10112x128xf32, #tpu.memory_space<vmem_shared>> -> memref<10112x128xf32, #tpu.memory_space<vmem_shared>>
            tpu.enqueue_indirect_dma source(%arg11 : memref<128x128xf32, #tpu.memory_space<vmem>>) target(%dma_start3A_77 : memref<10112x128xf32, #tpu.memory_space<vmem_shared>>) offsets(%dma_start3A_74 : memref<128xi32, #tpu.memory_space<vmem>>) semaphore(%run_scoped3A : memref<!tpu.dma_semaphore, #tpu.memory_space<semaphore_mem>>) {add = true}
            %dma_wait3A_78 = arith.constant 0 : i32
            %dma_wait3A_79 = tpu.memref_slice %arg10[%add3A_45, %dma_wait3A_78] : memref<16x128xi32, #tpu.memory_space<vmem>> -> memref<1x128xi32, #tpu.memory_space<vmem>>
            %dma_wait3A_80 = tpu.memref_squeeze %dma_wait3A_79 : memref<1x128xi32, #tpu.memory_space<vmem>> -> memref<128xi32, #tpu.memory_space<vmem>>
            %dma_wait3A_81 = arith.constant 0 : i32
            %dma_wait3A_82 = arith.constant 0 : i32
            %dma_wait3A_83 = tpu.memref_slice %arg15[%dma_wait3A_81, %dma_wait3A_82] : memref<10112x128xf32, #tpu.memory_space<vmem_shared>> -> memref<10112x128xf32, #tpu.memory_space<vmem_shared>>
            tpu.wait_indirect_dma semaphore(%run_scoped3A : memref<!tpu.dma_semaphore, #tpu.memory_space<semaphore_mem>>) src(%arg11 : memref<128x128xf32, #tpu.memory_space<vmem>>) dst(%dma_wait3A_83 : memref<10112x128xf32, #tpu.memory_space<vmem_shared>>)
            tpu.yield
          }) : () -> ()
          %add3A_57 = arith.constant 1 : i32
          %add3A_58 = arith.addi %add3A_43, %add3A_57 : i32
          %add3A_59 = arith.constant 1 : i32
          %add3A_60 = arith.addi %add3A_58, %add3A_59 : i32
          %lt3A_61 = arith.constant 16 : i32
          %lt3A_62 = arith.cmpi slt, %add3A_60, %lt3A_61 : i32
          %convert_element_type3A_63 = arith.extui %lt3A_62 : i1 to i32
          %cond3A_64 = arith.constant 0 : i32
          %cond3A_65 = arith.cmpi ne, %convert_element_type3A_63, %cond3A_64 : i32
          scf.if %cond3A_65 {
            %add3A_72 = arith.constant 1 : i32
            %add3A_73 = arith.addi %add3A_58, %add3A_72 : i32
            %dma_start3A_74 = arith.constant 0 : i32
            %dma_start3A_75 = tpu.memref_slice %arg9[%add3A_73, %dma_start3A_74] : memref<16x128xi32, #tpu.memory_space<vmem>> -> memref<1x128xi32, #tpu.memory_space<vmem>>
            %dma_start3A_76 = tpu.memref_squeeze %dma_start3A_75 : memref<1x128xi32, #tpu.memory_space<vmem>> -> memref<128xi32, #tpu.memory_space<vmem>>
            %dma_start3A_77 = arith.constant 0 : i32
            %dma_start3A_78 = arith.constant 0 : i32
            %dma_start3A_79 = tpu.memref_slice %arg4[%dma_start3A_77, %dma_start3A_78] : memref<10000x128xf32, #tpu.memory_space<hbm>> -> memref<10000x128xf32, #tpu.memory_space<hbm>>
            tpu.enqueue_indirect_dma source(%dma_start3A_79 : memref<10000x128xf32, #tpu.memory_space<hbm>>) target(%arg11 : memref<128x128xf32, #tpu.memory_space<vmem>>) offsets(%dma_start3A_76 : memref<128xi32, #tpu.memory_space<vmem>>) semaphore(%arg13 : memref<!tpu.dma_semaphore, #tpu.memory_space<semaphore_mem>>)
          } else {
          }
          %dma_wait3A_66 = arith.constant 0 : i32
          %dma_wait3A_67 = tpu.memref_slice %arg9[%add3A_58, %dma_wait3A_66] : memref<16x128xi32, #tpu.memory_space<vmem>> -> memref<1x128xi32, #tpu.memory_space<vmem>>
          %dma_wait3A_68 = tpu.memref_squeeze %dma_wait3A_67 : memref<1x128xi32, #tpu.memory_space<vmem>> -> memref<128xi32, #tpu.memory_space<vmem>>
          %dma_wait3A_69 = arith.constant 0 : i32
          %dma_wait3A_70 = arith.constant 0 : i32
          %dma_wait3A_71 = tpu.memref_slice %arg4[%dma_wait3A_69, %dma_wait3A_70] : memref<10000x128xf32, #tpu.memory_space<hbm>> -> memref<10000x128xf32, #tpu.memory_space<hbm>>
          tpu.wait_indirect_dma semaphore(%arg14 : memref<!tpu.dma_semaphore, #tpu.memory_space<semaphore_mem>>) src(%dma_wait3A_71 : memref<10000x128xf32, #tpu.memory_space<hbm>>) dst(%arg12 : memref<128x128xf32, #tpu.memory_space<vmem>>)
          "tpu.region"() ({
            %run_scoped3A = tpu.sem_alloc : memref<!tpu.dma_semaphore, #tpu.memory_space<semaphore_mem>>
            %dma_start3A_72 = arith.constant 0 : i32
            %dma_start3A_73 = tpu.memref_slice %arg10[%add3A_58, %dma_start3A_72] : memref<16x128xi32, #tpu.memory_space<vmem>> -> memref<1x128xi32, #tpu.memory_space<vmem>>
            %dma_start3A_74 = tpu.memref_squeeze %dma_start3A_73 : memref<1x128xi32, #tpu.memory_space<vmem>> -> memref<128xi32, #tpu.memory_space<vmem>>
            %dma_start3A_75 = arith.constant 0 : i32
            %dma_start3A_76 = arith.constant 0 : i32
            %dma_start3A_77 = tpu.memref_slice %arg15[%dma_start3A_75, %dma_start3A_76] : memref<10112x128xf32, #tpu.memory_space<vmem_shared>> -> memref<10112x128xf32, #tpu.memory_space<vmem_shared>>
            tpu.enqueue_indirect_dma source(%arg12 : memref<128x128xf32, #tpu.memory_space<vmem>>) target(%dma_start3A_77 : memref<10112x128xf32, #tpu.memory_space<vmem_shared>>) offsets(%dma_start3A_74 : memref<128xi32, #tpu.memory_space<vmem>>) semaphore(%run_scoped3A : memref<!tpu.dma_semaphore, #tpu.memory_space<semaphore_mem>>) {add = true}
            %dma_wait3A_78 = arith.constant 0 : i32
            %dma_wait3A_79 = tpu.memref_slice %arg10[%add3A_58, %dma_wait3A_78] : memref<16x128xi32, #tpu.memory_space<vmem>> -> memref<1x128xi32, #tpu.memory_space<vmem>>
            %dma_wait3A_80 = tpu.memref_squeeze %dma_wait3A_79 : memref<1x128xi32, #tpu.memory_space<vmem>> -> memref<128xi32, #tpu.memory_space<vmem>>
            %dma_wait3A_81 = arith.constant 0 : i32
            %dma_wait3A_82 = arith.constant 0 : i32
            %dma_wait3A_83 = tpu.memref_slice %arg15[%dma_wait3A_81, %dma_wait3A_82] : memref<10112x128xf32, #tpu.memory_space<vmem_shared>> -> memref<10112x128xf32, #tpu.memory_space<vmem_shared>>
            tpu.wait_indirect_dma semaphore(%run_scoped3A : memref<!tpu.dma_semaphore, #tpu.memory_space<semaphore_mem>>) src(%arg12 : memref<128x128xf32, #tpu.memory_space<vmem>>) dst(%dma_wait3A_83 : memref<10112x128xf32, #tpu.memory_space<vmem_shared>>)
            tpu.yield
          }) : () -> ()
        }
        %scan3A_38 = arith.constant 8 : i32
      }
      %scan3A_13 = arith.constant 5 : i32
      %barrier3A_14 = arith.constant 0 : index
      tpu.barrier barrier_id(%barrier3A_14)
      %mul3A_15 = arith.constant 632 : i32
      %mul3A_16 = arith.muli %arg1, %mul3A_15 : i32
      %mul3A_17 = arith.constant 632 : i32
      %mul3A_18 = arith.muli %arg1, %mul3A_17 : i32
      "tpu.region"() ({
        %run_scoped3A = tpu.sem_alloc : memref<!tpu.dma_semaphore, #tpu.memory_space<semaphore_mem>>
        %dma_start3A = arith.constant 0 : i32
        %dma_start3A_19 = tpu.memref_slice %arg7[%mul3A_18, %dma_start3A] : memref<10112x128xf32, #tpu.memory_space<hbm>> -> memref<632x128xf32, #tpu.memory_space<hbm>>
        %dma_start3A_20 = arith.constant 0 : i32
        %dma_start3A_21 = tpu.memref_slice %arg15[%mul3A_16, %dma_start3A_20] : memref<10112x128xf32, #tpu.memory_space<vmem_shared>> -> memref<632x128xf32, #tpu.memory_space<vmem_shared>>
        tpu.enqueue_dma source(%dma_start3A_21 : memref<632x128xf32, #tpu.memory_space<vmem_shared>>) target(%dma_start3A_19 : memref<632x128xf32, #tpu.memory_space<hbm>>) target_semaphore(%run_scoped3A : memref<!tpu.dma_semaphore, #tpu.memory_space<semaphore_mem>>)
        %dma_wait3A = arith.constant 0 : i32
        %dma_wait3A_22 = tpu.memref_slice %arg7[%mul3A_18, %dma_wait3A] : memref<10112x128xf32, #tpu.memory_space<hbm>> -> memref<632x128xf32, #tpu.memory_space<hbm>>
        %dma_wait3A_23 = arith.constant 0 : i32
        %dma_wait3A_24 = tpu.memref_slice %arg15[%mul3A_16, %dma_wait3A_23] : memref<10112x128xf32, #tpu.memory_space<vmem_shared>> -> memref<632x128xf32, #tpu.memory_space<vmem_shared>>
        tpu.wait_dma2 semaphore(%run_scoped3A : memref<!tpu.dma_semaphore, #tpu.memory_space<semaphore_mem>>) src(%dma_wait3A_24 : memref<632x128xf32, #tpu.memory_space<vmem_shared>>) dst(%dma_wait3A_22 : memref<632x128xf32, #tpu.memory_space<hbm>>)
        tpu.yield
      }) : () -> ()
    } else {
    }
    %eq3A_5 = arith.constant 1 : i32
    %eq3A_6 = arith.cmpi eq, %arg0, %eq3A_5 : i32
    %convert_element_type3A_7 = arith.extui %eq3A_6 : i1 to i32
    %cond3A_8 = arith.constant 0 : i32
    %cond3A_9 = arith.cmpi ne, %convert_element_type3A_7, %cond3A_8 : i32
    scf.if %cond3A_9 {
      %scan3A = arith.constant 0 : i32
      %scan3A_10 = arith.constant 5 : i32
      %scan3A_11 = arith.addi %scan3A, %scan3A_10 : i32
      %scan3A_12 = arith.constant 1 : i32
      scf.for %scan3A_19 = %scan3A to %scan3A_11 step %scan3A_12  : i32 {
        %mul3A_20 = arith.constant 1 : i32
        %mul3A_21 = arith.muli %scan3A_19, %mul3A_20 : i32
        %add3A = arith.constant 0 : i32
        %add3A_22 = arith.addi %add3A, %mul3A_21 : i32
        %mul3A_23 = arith.constant 80 : i32
        %mul3A_24 = arith.muli %arg1, %mul3A_23 : i32
        %mul3A_25 = arith.constant 16 : i32
        %mul3A_26 = arith.muli %add3A_22, %mul3A_25 : i32
        %add3A_27 = arith.addi %mul3A_24, %mul3A_26 : i32
        "tpu.region"() ({
          %run_scoped3A = tpu.sem_alloc : memref<!tpu.dma_semaphore, #tpu.memory_space<semaphore_mem>>
          %dma_start3A_39 = arith.constant 0 : i32
          %dma_start3A_40 = tpu.memref_slice %arg2[%add3A_27, %dma_start3A_39] : memref<1280x128xi32, #tpu.memory_space<hbm>> -> memref<16x128xi32, #tpu.memory_space<hbm>>
          %dma_start3A_41 = arith.constant 0 : i32
          %dma_start3A_42 = tpu.memref_slice %arg2[%add3A_27, %dma_start3A_41] : memref<1280x128xi32, #tpu.memory_space<hbm>> -> memref<16x128xi32, #tpu.memory_space<hbm>>
          tpu.enqueue_dma source(%dma_start3A_42 : memref<16x128xi32, #tpu.memory_space<hbm>>) target(%arg9 : memref<16x128xi32, #tpu.memory_space<vmem>>) target_semaphore(%run_scoped3A : memref<!tpu.dma_semaphore, #tpu.memory_space<semaphore_mem>>)
          %dma_wait3A = arith.constant 0 : i32
          %dma_wait3A_43 = tpu.memref_slice %arg2[%add3A_27, %dma_wait3A] : memref<1280x128xi32, #tpu.memory_space<hbm>> -> memref<16x128xi32, #tpu.memory_space<hbm>>
          %dma_wait3A_44 = arith.constant 0 : i32
          %dma_wait3A_45 = tpu.memref_slice %arg2[%add3A_27, %dma_wait3A_44] : memref<1280x128xi32, #tpu.memory_space<hbm>> -> memref<16x128xi32, #tpu.memory_space<hbm>>
          tpu.wait_dma2 semaphore(%run_scoped3A : memref<!tpu.dma_semaphore, #tpu.memory_space<semaphore_mem>>) src(%dma_wait3A_45 : memref<16x128xi32, #tpu.memory_space<hbm>>) dst(%arg9 : memref<16x128xi32, #tpu.memory_space<vmem>>)
          tpu.yield
        }) : () -> ()
        "tpu.region"() ({
          %run_scoped3A = tpu.sem_alloc : memref<!tpu.dma_semaphore, #tpu.memory_space<semaphore_mem>>
          %dma_start3A_39 = arith.constant 0 : i32
          %dma_start3A_40 = tpu.memref_slice %arg3[%add3A_27, %dma_start3A_39] : memref<1280x128xi32, #tpu.memory_space<hbm>> -> memref<16x128xi32, #tpu.memory_space<hbm>>
          %dma_start3A_41 = arith.constant 0 : i32
          %dma_start3A_42 = tpu.memref_slice %arg3[%add3A_27, %dma_start3A_41] : memref<1280x128xi32, #tpu.memory_space<hbm>> -> memref<16x128xi32, #tpu.memory_space<hbm>>
          tpu.enqueue_dma source(%dma_start3A_42 : memref<16x128xi32, #tpu.memory_space<hbm>>) target(%arg10 : memref<16x128xi32, #tpu.memory_space<vmem>>) target_semaphore(%run_scoped3A : memref<!tpu.dma_semaphore, #tpu.memory_space<semaphore_mem>>)
          %dma_wait3A = arith.constant 0 : i32
          %dma_wait3A_43 = tpu.memref_slice %arg3[%add3A_27, %dma_wait3A] : memref<1280x128xi32, #tpu.memory_space<hbm>> -> memref<16x128xi32, #tpu.memory_space<hbm>>
          %dma_wait3A_44 = arith.constant 0 : i32
          %dma_wait3A_45 = tpu.memref_slice %arg3[%add3A_27, %dma_wait3A_44] : memref<1280x128xi32, #tpu.memory_space<hbm>> -> memref<16x128xi32, #tpu.memory_space<hbm>>
          tpu.wait_dma2 semaphore(%run_scoped3A : memref<!tpu.dma_semaphore, #tpu.memory_space<semaphore_mem>>) src(%dma_wait3A_45 : memref<16x128xi32, #tpu.memory_space<hbm>>) dst(%arg10 : memref<16x128xi32, #tpu.memory_space<vmem>>)
          tpu.yield
        }) : () -> ()
        %dma_start3A = arith.constant 0 : i32
        %dma_start3A_28 = arith.constant 0 : i32
        %dma_start3A_29 = tpu.memref_slice %arg9[%dma_start3A, %dma_start3A_28] : memref<16x128xi32, #tpu.memory_space<vmem>> -> memref<1x128xi32, #tpu.memory_space<vmem>>
        %dma_start3A_30 = tpu.memref_squeeze %dma_start3A_29 : memref<1x128xi32, #tpu.memory_space<vmem>> -> memref<128xi32, #tpu.memory_space<vmem>>
        %dma_start3A_31 = arith.constant 0 : i32
        %dma_start3A_32 = arith.constant 0 : i32
        %dma_start3A_33 = tpu.memref_slice %arg5[%dma_start3A_31, %dma_start3A_32] : memref<10000x128xf32, #tpu.memory_space<hbm>> -> memref<10000x128xf32, #tpu.memory_space<hbm>>
        tpu.enqueue_indirect_dma source(%dma_start3A_33 : memref<10000x128xf32, #tpu.memory_space<hbm>>) target(%arg11 : memref<128x128xf32, #tpu.memory_space<vmem>>) offsets(%dma_start3A_30 : memref<128xi32, #tpu.memory_space<vmem>>) semaphore(%arg13 : memref<!tpu.dma_semaphore, #tpu.memory_space<semaphore_mem>>)
        %scan3A_34 = arith.constant 0 : i32
        %scan3A_35 = arith.constant 8 : i32
        %scan3A_36 = arith.addi %scan3A_34, %scan3A_35 : i32
        %scan3A_37 = arith.constant 1 : i32
        scf.for %scan3A_39 = %scan3A_34 to %scan3A_36 step %scan3A_37  : i32 {
          %mul3A_40 = arith.constant 2 : i32
          %mul3A_41 = arith.muli %scan3A_39, %mul3A_40 : i32
          %add3A_42 = arith.constant 0 : i32
          %add3A_43 = arith.addi %add3A_42, %mul3A_41 : i32
          %add3A_44 = arith.constant 0 : i32
          %add3A_45 = arith.addi %add3A_43, %add3A_44 : i32
          %add3A_46 = arith.constant 1 : i32
          %add3A_47 = arith.addi %add3A_45, %add3A_46 : i32
          %lt3A = arith.constant 16 : i32
          %lt3A_48 = arith.cmpi slt, %add3A_47, %lt3A : i32
          %convert_element_type3A_49 = arith.extui %lt3A_48 : i1 to i32
          %cond3A_50 = arith.constant 0 : i32
          %cond3A_51 = arith.cmpi ne, %convert_element_type3A_49, %cond3A_50 : i32
          scf.if %cond3A_51 {
            %add3A_72 = arith.constant 1 : i32
            %add3A_73 = arith.addi %add3A_45, %add3A_72 : i32
            %dma_start3A_74 = arith.constant 0 : i32
            %dma_start3A_75 = tpu.memref_slice %arg9[%add3A_73, %dma_start3A_74] : memref<16x128xi32, #tpu.memory_space<vmem>> -> memref<1x128xi32, #tpu.memory_space<vmem>>
            %dma_start3A_76 = tpu.memref_squeeze %dma_start3A_75 : memref<1x128xi32, #tpu.memory_space<vmem>> -> memref<128xi32, #tpu.memory_space<vmem>>
            %dma_start3A_77 = arith.constant 0 : i32
            %dma_start3A_78 = arith.constant 0 : i32
            %dma_start3A_79 = tpu.memref_slice %arg5[%dma_start3A_77, %dma_start3A_78] : memref<10000x128xf32, #tpu.memory_space<hbm>> -> memref<10000x128xf32, #tpu.memory_space<hbm>>
            tpu.enqueue_indirect_dma source(%dma_start3A_79 : memref<10000x128xf32, #tpu.memory_space<hbm>>) target(%arg12 : memref<128x128xf32, #tpu.memory_space<vmem>>) offsets(%dma_start3A_76 : memref<128xi32, #tpu.memory_space<vmem>>) semaphore(%arg14 : memref<!tpu.dma_semaphore, #tpu.memory_space<semaphore_mem>>)
          } else {
          }
          %dma_wait3A = arith.constant 0 : i32
          %dma_wait3A_52 = tpu.memref_slice %arg9[%add3A_45, %dma_wait3A] : memref<16x128xi32, #tpu.memory_space<vmem>> -> memref<1x128xi32, #tpu.memory_space<vmem>>
          %dma_wait3A_53 = tpu.memref_squeeze %dma_wait3A_52 : memref<1x128xi32, #tpu.memory_space<vmem>> -> memref<128xi32, #tpu.memory_space<vmem>>
          %dma_wait3A_54 = arith.constant 0 : i32
          %dma_wait3A_55 = arith.constant 0 : i32
          %dma_wait3A_56 = tpu.memref_slice %arg5[%dma_wait3A_54, %dma_wait3A_55] : memref<10000x128xf32, #tpu.memory_space<hbm>> -> memref<10000x128xf32, #tpu.memory_space<hbm>>
          tpu.wait_indirect_dma semaphore(%arg13 : memref<!tpu.dma_semaphore, #tpu.memory_space<semaphore_mem>>) src(%dma_wait3A_56 : memref<10000x128xf32, #tpu.memory_space<hbm>>) dst(%arg11 : memref<128x128xf32, #tpu.memory_space<vmem>>)
          "tpu.region"() ({
            %run_scoped3A = tpu.sem_alloc : memref<!tpu.dma_semaphore, #tpu.memory_space<semaphore_mem>>
            %dma_start3A_72 = arith.constant 0 : i32
            %dma_start3A_73 = tpu.memref_slice %arg10[%add3A_45, %dma_start3A_72] : memref<16x128xi32, #tpu.memory_space<vmem>> -> memref<1x128xi32, #tpu.memory_space<vmem>>
            %dma_start3A_74 = tpu.memref_squeeze %dma_start3A_73 : memref<1x128xi32, #tpu.memory_space<vmem>> -> memref<128xi32, #tpu.memory_space<vmem>>
            %dma_start3A_75 = arith.constant 0 : i32
            %dma_start3A_76 = arith.constant 0 : i32
            %dma_start3A_77 = tpu.memref_slice %arg15[%dma_start3A_75, %dma_start3A_76] : memref<10112x128xf32, #tpu.memory_space<vmem_shared>> -> memref<10112x128xf32, #tpu.memory_space<vmem_shared>>
            tpu.enqueue_indirect_dma source(%arg11 : memref<128x128xf32, #tpu.memory_space<vmem>>) target(%dma_start3A_77 : memref<10112x128xf32, #tpu.memory_space<vmem_shared>>) offsets(%dma_start3A_74 : memref<128xi32, #tpu.memory_space<vmem>>) semaphore(%run_scoped3A : memref<!tpu.dma_semaphore, #tpu.memory_space<semaphore_mem>>) {add = true}
            %dma_wait3A_78 = arith.constant 0 : i32
            %dma_wait3A_79 = tpu.memref_slice %arg10[%add3A_45, %dma_wait3A_78] : memref<16x128xi32, #tpu.memory_space<vmem>> -> memref<1x128xi32, #tpu.memory_space<vmem>>
            %dma_wait3A_80 = tpu.memref_squeeze %dma_wait3A_79 : memref<1x128xi32, #tpu.memory_space<vmem>> -> memref<128xi32, #tpu.memory_space<vmem>>
            %dma_wait3A_81 = arith.constant 0 : i32
            %dma_wait3A_82 = arith.constant 0 : i32
            %dma_wait3A_83 = tpu.memref_slice %arg15[%dma_wait3A_81, %dma_wait3A_82] : memref<10112x128xf32, #tpu.memory_space<vmem_shared>> -> memref<10112x128xf32, #tpu.memory_space<vmem_shared>>
            tpu.wait_indirect_dma semaphore(%run_scoped3A : memref<!tpu.dma_semaphore, #tpu.memory_space<semaphore_mem>>) src(%arg11 : memref<128x128xf32, #tpu.memory_space<vmem>>) dst(%dma_wait3A_83 : memref<10112x128xf32, #tpu.memory_space<vmem_shared>>)
            tpu.yield
          }) : () -> ()
          %add3A_57 = arith.constant 1 : i32
          %add3A_58 = arith.addi %add3A_43, %add3A_57 : i32
          %add3A_59 = arith.constant 1 : i32
          %add3A_60 = arith.addi %add3A_58, %add3A_59 : i32
          %lt3A_61 = arith.constant 16 : i32
          %lt3A_62 = arith.cmpi slt, %add3A_60, %lt3A_61 : i32
          %convert_element_type3A_63 = arith.extui %lt3A_62 : i1 to i32
          %cond3A_64 = arith.constant 0 : i32
          %cond3A_65 = arith.cmpi ne, %convert_element_type3A_63, %cond3A_64 : i32
          scf.if %cond3A_65 {
            %add3A_72 = arith.constant 1 : i32
            %add3A_73 = arith.addi %add3A_58, %add3A_72 : i32
            %dma_start3A_74 = arith.constant 0 : i32
            %dma_start3A_75 = tpu.memref_slice %arg9[%add3A_73, %dma_start3A_74] : memref<16x128xi32, #tpu.memory_space<vmem>> -> memref<1x128xi32, #tpu.memory_space<vmem>>
            %dma_start3A_76 = tpu.memref_squeeze %dma_start3A_75 : memref<1x128xi32, #tpu.memory_space<vmem>> -> memref<128xi32, #tpu.memory_space<vmem>>
            %dma_start3A_77 = arith.constant 0 : i32
            %dma_start3A_78 = arith.constant 0 : i32
            %dma_start3A_79 = tpu.memref_slice %arg5[%dma_start3A_77, %dma_start3A_78] : memref<10000x128xf32, #tpu.memory_space<hbm>> -> memref<10000x128xf32, #tpu.memory_space<hbm>>
            tpu.enqueue_indirect_dma source(%dma_start3A_79 : memref<10000x128xf32, #tpu.memory_space<hbm>>) target(%arg11 : memref<128x128xf32, #tpu.memory_space<vmem>>) offsets(%dma_start3A_76 : memref<128xi32, #tpu.memory_space<vmem>>) semaphore(%arg13 : memref<!tpu.dma_semaphore, #tpu.memory_space<semaphore_mem>>)
          } else {
          }
          %dma_wait3A_66 = arith.constant 0 : i32
          %dma_wait3A_67 = tpu.memref_slice %arg9[%add3A_58, %dma_wait3A_66] : memref<16x128xi32, #tpu.memory_space<vmem>> -> memref<1x128xi32, #tpu.memory_space<vmem>>
          %dma_wait3A_68 = tpu.memref_squeeze %dma_wait3A_67 : memref<1x128xi32, #tpu.memory_space<vmem>> -> memref<128xi32, #tpu.memory_space<vmem>>
          %dma_wait3A_69 = arith.constant 0 : i32
          %dma_wait3A_70 = arith.constant 0 : i32
          %dma_wait3A_71 = tpu.memref_slice %arg5[%dma_wait3A_69, %dma_wait3A_70] : memref<10000x128xf32, #tpu.memory_space<hbm>> -> memref<10000x128xf32, #tpu.memory_space<hbm>>
          tpu.wait_indirect_dma semaphore(%arg14 : memref<!tpu.dma_semaphore, #tpu.memory_space<semaphore_mem>>) src(%dma_wait3A_71 : memref<10000x128xf32, #tpu.memory_space<hbm>>) dst(%arg12 : memref<128x128xf32, #tpu.memory_space<vmem>>)
          "tpu.region"() ({
            %run_scoped3A = tpu.sem_alloc : memref<!tpu.dma_semaphore, #tpu.memory_space<semaphore_mem>>
            %dma_start3A_72 = arith.constant 0 : i32
            %dma_start3A_73 = tpu.memref_slice %arg10[%add3A_58, %dma_start3A_72] : memref<16x128xi32, #tpu.memory_space<vmem>> -> memref<1x128xi32, #tpu.memory_space<vmem>>
            %dma_start3A_74 = tpu.memref_squeeze %dma_start3A_73 : memref<1x128xi32, #tpu.memory_space<vmem>> -> memref<128xi32, #tpu.memory_space<vmem>>
            %dma_start3A_75 = arith.constant 0 : i32
            %dma_start3A_76 = arith.constant 0 : i32
            %dma_start3A_77 = tpu.memref_slice %arg15[%dma_start3A_75, %dma_start3A_76] : memref<10112x128xf32, #tpu.memory_space<vmem_shared>> -> memref<10112x128xf32, #tpu.memory_space<vmem_shared>>
            tpu.enqueue_indirect_dma source(%arg12 : memref<128x128xf32, #tpu.memory_space<vmem>>) target(%dma_start3A_77 : memref<10112x128xf32, #tpu.memory_space<vmem_shared>>) offsets(%dma_start3A_74 : memref<128xi32, #tpu.memory_space<vmem>>) semaphore(%run_scoped3A : memref<!tpu.dma_semaphore, #tpu.memory_space<semaphore_mem>>) {add = true}
            %dma_wait3A_78 = arith.constant 0 : i32
            %dma_wait3A_79 = tpu.memref_slice %arg10[%add3A_58, %dma_wait3A_78] : memref<16x128xi32, #tpu.memory_space<vmem>> -> memref<1x128xi32, #tpu.memory_space<vmem>>
            %dma_wait3A_80 = tpu.memref_squeeze %dma_wait3A_79 : memref<1x128xi32, #tpu.memory_space<vmem>> -> memref<128xi32, #tpu.memory_space<vmem>>
            %dma_wait3A_81 = arith.constant 0 : i32
            %dma_wait3A_82 = arith.constant 0 : i32
            %dma_wait3A_83 = tpu.memref_slice %arg15[%dma_wait3A_81, %dma_wait3A_82] : memref<10112x128xf32, #tpu.memory_space<vmem_shared>> -> memref<10112x128xf32, #tpu.memory_space<vmem_shared>>
            tpu.wait_indirect_dma semaphore(%run_scoped3A : memref<!tpu.dma_semaphore, #tpu.memory_space<semaphore_mem>>) src(%arg12 : memref<128x128xf32, #tpu.memory_space<vmem>>) dst(%dma_wait3A_83 : memref<10112x128xf32, #tpu.memory_space<vmem_shared>>)
            tpu.yield
          }) : () -> ()
        }
        %scan3A_38 = arith.constant 8 : i32
      }
      %scan3A_13 = arith.constant 5 : i32
      %barrier3A_14 = arith.constant 0 : index
      tpu.barrier barrier_id(%barrier3A_14)
      %mul3A_15 = arith.constant 632 : i32
      %mul3A_16 = arith.muli %arg1, %mul3A_15 : i32
      %mul3A_17 = arith.constant 632 : i32
      %mul3A_18 = arith.muli %arg1, %mul3A_17 : i32
      "tpu.region"() ({
        %run_scoped3A = tpu.sem_alloc : memref<!tpu.dma_semaphore, #tpu.memory_space<semaphore_mem>>
        %dma_start3A = arith.constant 0 : i32
        %dma_start3A_19 = tpu.memref_slice %arg8[%mul3A_18, %dma_start3A] : memref<10112x128xf32, #tpu.memory_space<hbm>> -> memref<632x128xf32, #tpu.memory_space<hbm>>
        %dma_start3A_20 = arith.constant 0 : i32
        %dma_start3A_21 = tpu.memref_slice %arg15[%mul3A_16, %dma_start3A_20] : memref<10112x128xf32, #tpu.memory_space<vmem_shared>> -> memref<632x128xf32, #tpu.memory_space<vmem_shared>>
        tpu.enqueue_dma source(%dma_start3A_21 : memref<632x128xf32, #tpu.memory_space<vmem_shared>>) target(%dma_start3A_19 : memref<632x128xf32, #tpu.memory_space<hbm>>) target_semaphore(%run_scoped3A : memref<!tpu.dma_semaphore, #tpu.memory_space<semaphore_mem>>)
        %dma_wait3A = arith.constant 0 : i32
        %dma_wait3A_22 = tpu.memref_slice %arg8[%mul3A_18, %dma_wait3A] : memref<10112x128xf32, #tpu.memory_space<hbm>> -> memref<632x128xf32, #tpu.memory_space<hbm>>
        %dma_wait3A_23 = arith.constant 0 : i32
        %dma_wait3A_24 = tpu.memref_slice %arg15[%mul3A_16, %dma_wait3A_23] : memref<10112x128xf32, #tpu.memory_space<vmem_shared>> -> memref<632x128xf32, #tpu.memory_space<vmem_shared>>
        tpu.wait_dma2 semaphore(%run_scoped3A : memref<!tpu.dma_semaphore, #tpu.memory_space<semaphore_mem>>) src(%dma_wait3A_24 : memref<632x128xf32, #tpu.memory_space<vmem_shared>>) dst(%dma_wait3A_22 : memref<632x128xf32, #tpu.memory_space<hbm>>)
        tpu.yield
      }) : () -> ()
    } else {
    }
    return
  }
}

module attributes {stable_mosaic.version = 14 : i64} {
  func.func @_linear_body(%arg0: i32, %arg1: memref<400x256xf32, #tpu.memory_space<vmem>>, %arg2: memref<256x256xf32, #tpu.memory_space<vmem>>, %arg3: memref<400x2xf32, #tpu.memory_space<vmem>>, %arg4: memref<400x128xf32, #tpu.memory_space<vmem>>, %arg5: memref<400x128xf32, #tpu.memory_space<vmem>>) attributes {dimension_semantics = [#tpu.dimension_semantics<arbitrary>], iteration_bounds = array<i64: 25>, scalar_prefetch = 0 : i64, scratch_operands = 0 : i64, tpu.core_type = #tpu.core_type<tc>, window_params = [{transform_indices = @transform_0, window_bounds = array<i64: 400, 256>}, {pipeline_mode = #tpu.pipeline_mode<synchronous>, transform_indices = @transform_1, window_bounds = array<i64: 256, 256>}, {transform_indices = @transform_2, window_bounds = array<i64: 400, 2>}, {transform_indices = @transform_3, window_bounds = array<i64: 400, 128>}, {transform_indices = @transform_4, window_bounds = array<i64: 400, 128>}]} {
    %get3A = arith.constant 0 : index
    %get3A_0 = arith.constant 0 : index
    %get3A_1 = vector.load %arg3[%get3A, %get3A_0] : memref<400x2xf32, #tpu.memory_space<vmem>>, vector<400x2xf32>
    %slice3A = vector.extract_strided_slice %get3A_1 {offsets = [0, 0], sizes = [400, 1], strides = [1, 1]} : vector<400x2xf32> to vector<400x1xf32>
    %squeeze3A = vector.shape_cast %slice3A : vector<400x1xf32> to vector<400xf32>
    %slice3A_2 = vector.extract_strided_slice %get3A_1 {offsets = [0, 1], sizes = [400, 1], strides = [1, 1]} : vector<400x2xf32> to vector<400x1xf32>
    %squeeze3A_3 = vector.shape_cast %slice3A_2 : vector<400x1xf32> to vector<400xf32>
    %add3A = arith.addf %squeeze3A, %squeeze3A_3 : vector<400xf32>
    %gt3A = arith.constant 0.000000e+00 : f32
    %gt3A_4 = vector.broadcast %gt3A : f32 to vector<400xf32>
    %gt3A_5 = arith.cmpf ogt, %add3A, %gt3A_4 : vector<400xf32>
    %rsqrt3A = math.rsqrt %add3A : vector<400xf32>
    %jit3A = arith.constant 0.000000e+00 : f32
    %broadcast_in_dim3A = vector.broadcast %jit3A : f32 to vector<400xf32>
    %select_n3A = arith.select %gt3A_5, %rsqrt3A, %broadcast_in_dim3A : vector<400xi1>, vector<400xf32>
    %get3A_6 = arith.constant 0 : index
    %get3A_7 = arith.constant 0 : index
    %get3A_8 = vector.load %arg1[%get3A_6, %get3A_7] : memref<400x256xf32, #tpu.memory_space<vmem>>, vector<400x256xf32>
    %get3A_9 = arith.constant 0 : index
    %get3A_10 = arith.constant 0 : index
    %get3A_11 = vector.load %arg2[%get3A_9, %get3A_10] : memref<256x256xf32, #tpu.memory_space<vmem>>, vector<256x256xf32>
    %dot_general3A = arith.constant dense<0.000000e+00> : vector<400x256xf32>
    %dot_general3A_12 = tpu.matmul %get3A_8, %get3A_11, %dot_general3A {dimension_numbers = #tpu.dot_dimension_numbers<[1], [1], [0], [0], [0, 0, 1, 0], [], []>, transpose_lhs_hint = false} : vector<400x256xf32>, vector<256x256xf32>, vector<400x256xf32> -> vector<400x256xf32>
    %broadcast_in_dim3A_13 = vector.shape_cast %select_n3A : vector<400xf32> to vector<400x1xf32>
    %mul3A = vector.broadcast %broadcast_in_dim3A_13 : vector<400x1xf32> to vector<400x256xf32>
    %mul3A_14 = arith.mulf %dot_general3A_12, %mul3A : vector<400x256xf32>
    %slice3A_15 = vector.extract_strided_slice %mul3A_14 {offsets = [0, 0], sizes = [400, 128], strides = [1, 1]} : vector<400x256xf32> to vector<400x128xf32>
    %swap3A = arith.constant 0 : index
    %swap3A_16 = arith.constant 0 : index
    %swap3A_17 = vector.load %arg4[%swap3A, %swap3A_16] : memref<400x128xf32, #tpu.memory_space<vmem>>, vector<400x128xf32>
    tpu.vector_store %arg4[%swap3A, %swap3A_16], %slice3A_15 {strides = array<i32>} : memref<400x128xf32, #tpu.memory_space<vmem>>, vector<400x128xf32>,
    %slice3A_18 = vector.extract_strided_slice %mul3A_14 {offsets = [0, 128], sizes = [400, 128], strides = [1, 1]} : vector<400x256xf32> to vector<400x128xf32>
    %swap3A_19 = arith.constant 0 : index
    %swap3A_20 = arith.constant 0 : index
    %swap3A_21 = vector.load %arg5[%swap3A_19, %swap3A_20] : memref<400x128xf32, #tpu.memory_space<vmem>>, vector<400x128xf32>
    tpu.vector_store %arg5[%swap3A_19, %swap3A_20], %slice3A_18 {strides = array<i32>} : memref<400x128xf32, #tpu.memory_space<vmem>>, vector<400x128xf32>,
    return
  }
  func.func @transform_0(%arg0: i32) -> (i32, i32) {
    %c0_i32 = arith.constant 0 : i32
    %c0_i32_0 = arith.constant 0 : i32
    return %arg0, %c0_i32 : i32, i32
  }
  func.func @transform_1(%arg0: i32) -> (i32, i32) {
    %c0_i32 = arith.constant 0 : i32
    %c0_i32_0 = arith.constant 0 : i32
    %c0_i32_1 = arith.constant 0 : i32
    return %c0_i32, %c0_i32_0 : i32, i32
  }
  func.func @transform_2(%arg0: i32) -> (i32, i32) {
    %c0_i32 = arith.constant 0 : i32
    %c0_i32_0 = arith.constant 0 : i32
    return %arg0, %c0_i32 : i32, i32
  }
  func.func @transform_3(%arg0: i32) -> (i32, i32) {
    %c0_i32 = arith.constant 0 : i32
    %c0_i32_0 = arith.constant 0 : i32
    return %arg0, %c0_i32 : i32, i32
  }
  func.func @transform_4(%arg0: i32) -> (i32, i32) {
    %c0_i32 = arith.constant 0 : i32
    %c0_i32_0 = arith.constant 0 : i32
    return %arg0, %c0_i32 : i32, i32
  }
}

module attributes {stable_mosaic.version = 14 : i64} {
  func.func @_out_body(%arg0: i32, %arg1: memref<400x128xf32, #tpu.memory_space<vmem>>, %arg2: memref<400x128xf32, #tpu.memory_space<vmem>>, %arg3: memref<400x2xf32, #tpu.memory_space<vmem>>, %arg4: memref<1x256xf32, #tpu.memory_space<vmem>>, %arg5: memref<400x256xf32, #tpu.memory_space<vmem>>) attributes {dimension_semantics = [#tpu.dimension_semantics<arbitrary>], iteration_bounds = array<i64: 25>, scalar_prefetch = 0 : i64, scratch_operands = 0 : i64, tpu.core_type = #tpu.core_type<tc>, window_params = [{transform_indices = @transform_0, window_bounds = array<i64: 400, 128>}, {transform_indices = @transform_1, window_bounds = array<i64: 400, 128>}, {transform_indices = @transform_2, window_bounds = array<i64: 400, 2>}, {pipeline_mode = #tpu.pipeline_mode<synchronous>, transform_indices = @transform_3, window_bounds = array<i64: 1, 256>}, {transform_indices = @transform_4, window_bounds = array<i64: 400, 256>}]} {
    %get3A = arith.constant 0 : index
    %get3A_0 = arith.constant 0 : index
    %get3A_1 = vector.load %arg3[%get3A, %get3A_0] : memref<400x2xf32, #tpu.memory_space<vmem>>, vector<400x2xf32>
    %slice3A = vector.extract_strided_slice %get3A_1 {offsets = [0, 0], sizes = [400, 1], strides = [1, 1]} : vector<400x2xf32> to vector<400x1xf32>
    %squeeze3A = vector.shape_cast %slice3A : vector<400x1xf32> to vector<400xf32>
    %slice3A_2 = vector.extract_strided_slice %get3A_1 {offsets = [0, 1], sizes = [400, 1], strides = [1, 1]} : vector<400x2xf32> to vector<400x1xf32>
    %squeeze3A_3 = vector.shape_cast %slice3A_2 : vector<400x1xf32> to vector<400xf32>
    %add3A = arith.addf %squeeze3A, %squeeze3A_3 : vector<400xf32>
    %gt3A = arith.constant 0.000000e+00 : f32
    %gt3A_4 = vector.broadcast %gt3A : f32 to vector<400xf32>
    %gt3A_5 = arith.cmpf ogt, %add3A, %gt3A_4 : vector<400xf32>
    %rsqrt3A = math.rsqrt %add3A : vector<400xf32>
    %jit3A = arith.constant 0.000000e+00 : f32
    %broadcast_in_dim3A = vector.broadcast %jit3A : f32 to vector<400xf32>
    %select_n3A = arith.select %gt3A_5, %rsqrt3A, %broadcast_in_dim3A : vector<400xi1>, vector<400xf32>
    %get3A_6 = arith.constant 0 : index
    %get3A_7 = arith.constant 0 : index
    %get3A_8 = vector.load %arg1[%get3A_6, %get3A_7] : memref<400x128xf32, #tpu.memory_space<vmem>>, vector<400x128xf32>
    %get3A_9 = arith.constant 0 : index
    %get3A_10 = arith.constant 0 : index
    %get3A_11 = vector.load %arg2[%get3A_9, %get3A_10] : memref<400x128xf32, #tpu.memory_space<vmem>>, vector<400x128xf32>
    %concatenate3A = tpu.concatenate %get3A_8, %get3A_11 in 1 : vector<400x128xf32>, vector<400x128xf32> -> vector<400x256xf32>
    %broadcast_in_dim3A_12 = vector.shape_cast %select_n3A : vector<400xf32> to vector<400x1xf32>
    %mul3A = vector.broadcast %broadcast_in_dim3A_12 : vector<400x1xf32> to vector<400x256xf32>
    %mul3A_13 = arith.mulf %concatenate3A, %mul3A : vector<400x256xf32>
    %get3A_14 = arith.constant 0 : index
    %get3A_15 = arith.constant 0 : index
    %get3A_16 = vector.load %arg4[%get3A_14, %get3A_15] : memref<1x256xf32, #tpu.memory_space<vmem>>, vector<1x256xf32>
    %add3A_17 = vector.broadcast %get3A_16 : vector<1x256xf32> to vector<400x256xf32>
    %add3A_18 = arith.addf %mul3A_13, %add3A_17 : vector<400x256xf32>
    %swap3A = arith.constant 0 : index
    %swap3A_19 = arith.constant 0 : index
    %swap3A_20 = vector.load %arg5[%swap3A, %swap3A_19] : memref<400x256xf32, #tpu.memory_space<vmem>>, vector<400x256xf32>
    tpu.vector_store %arg5[%swap3A, %swap3A_19], %add3A_18 {strides = array<i32>} : memref<400x256xf32, #tpu.memory_space<vmem>>, vector<400x256xf32>,
    return
  }
  func.func @transform_0(%arg0: i32) -> (i32, i32) {
    %c0_i32 = arith.constant 0 : i32
    %c0_i32_0 = arith.constant 0 : i32
    return %arg0, %c0_i32 : i32, i32
  }
  func.func @transform_1(%arg0: i32) -> (i32, i32) {
    %c0_i32 = arith.constant 0 : i32
    %c0_i32_0 = arith.constant 0 : i32
    return %arg0, %c0_i32 : i32, i32
  }
  func.func @transform_2(%arg0: i32) -> (i32, i32) {
    %c0_i32 = arith.constant 0 : i32
    %c0_i32_0 = arith.constant 0 : i32
    return %arg0, %c0_i32 : i32, i32
  }
  func.func @transform_3(%arg0: i32) -> (i32, i32) {
    %c0_i32 = arith.constant 0 : i32
    %c0_i32_0 = arith.constant 0 : i32
    %c0_i32_1 = arith.constant 0 : i32
    return %c0_i32, %c0_i32_0 : i32, i32
  }
  func.func @transform_4(%arg0: i32) -> (i32, i32) {
    %c0_i32 = arith.constant 0 : i32
    %c0_i32_0 = arith.constant 0 : i32
    return %arg0, %c0_i32 : i32, i32
  }
}

</mosaic_0001>

<sc_bundles>
// kernel: kernel.6.cloned.1.call-start
scs
__scs_entry_jumppad:
0x0: {  	(pc) =	sbr.rel $0x88, $3  }
0x1: {  	(tag) =	ssettag $0x0;
	lr =	simm.s32 $0x1  }
0x2: {  	[smem:$0x3F9D] =	sst lr;
	_ =	strace $0xD0000000  }
0x3: {  	_ = 	snop  }
0x4: {  	_ = 	snop  }
0x5: {  	_ = 	snop  }
0x6: {  	_ = 	snop  }
0x7: {  	_ = 	snop  }
__scs_overlays_trampoline_lowered:
0x8: {  	[smem:$0x3FAC] =	sst s0  }
0x9: {  	[smem:$0x3FAD] =	sst s1  }
0xa: {  	[smem:$0x3FAE] =	sst s2  }
0xb: {  	[smem:$0x3FAF] =	sst s3  }
0xc: {  	[smem:$0x3FB0] =	sst s4  }
0xd: {  	[smem:$0x3FB1] =	sst s5  }
0xe: {  	[smem:$0x3FB2] =	sst s6  }
0xf: {  	[smem:$0x3FB3] =	sst s7  }
0x10: {  	[smem:$0x3FB4] =	sst s8  }
0x11: {  	[smem:$0x3FB5] =	sst s9;
	s0 =	simm.s32 @!p0 $0x0  }
0x12: {  	s1 =	sld [smem:$0x3F9B];
	s0 =	simm.s32 @p0 $0x1  }
0x13: {  	[smem:$0x3FB6] =	sst s0;
	s0 =	simm.s32 @!p1 $0x0  }
0x14: {  	s2 =	sld [smem:$0x3F9A];
	s0 =	simm.s32 @p1 $0x1  }
0x15: {  	[smem:$0x3FB7] =	sst s0;
	s0 =	simm.s32 @!p2 $0x0  }
0x16: {  	s3 =	sld [smem:$0x3FDB];
	s0 =	simm.s32 @p2 $0x1  }
0x17: {  	s4 =	simm.s32 $0x1BF5;
	[smem:$0x3FB9] =	sst s0  }
0x18: {  	s0 =	sld [smem:$0x3F9C];
	_ =	swait.ge [sflag:s4], $0x0  }
0x19: {  	s7 =	sld [smem:$0x3F9D]  }
0x1a: {  	s8 =	sadd.s32 $0xFFFFE003, lr  }
0x1b: {  	s9 =	sadd.s32 $0xFFFFFEF7, lr;
	s5 =	simm.s32 $0xFFFFFFFF;
	p2 =	slt.u32 s8, $0xFFFFF086  }
0x1c: {  	p1 =	slt.u32 s9, $0xF7A;
	s5 =	simm.s32 @!p2 $0x0  }
0x1d: {  	s5 =	simm.s32 @p1 $0x1;
	p0 =	seq.s32 s7, s2  }
0x1e: {  	s7 =	smul.u32 @!p0 $0xF7A, s2;
	p2 =	seq.s32 @!p0 s5, $0x0  }
0x1f: {  	s9 =	smul.u32 $0xF7A, s1;
	s8 =	simm.s32 @!p0 $0x1BF5;
	p2 =	por !p2, p0  }
0x20: {  	[sflag:s8] =	ssyncset.s32 @!p0 $0xFFFFF086;
	s6 =	sadd.s32 @!p0 s3, s7;
	s7 =	simm.s32 @!p0 $0x108  }
0x21: {  	s3 =	sadd.s32 s3, s9;
	s6 =	sadd.s32 @!p0 $0x88, s6;
	s7 =	simm.s32 @p2 $0x1082  }
0x22: {  	[simem:s7], [sflag:s8] =	dma.local @!p0 [hbm:s6], $0xF7A  }
0x23: {  	s9 =	sor.u32 $0xD0000000, s2;
	s6 =	simm.s32 $0x108;
	_ =	swait.ge @!p0 [sflag:s8], $0x0  }
0x24: {  	s3 =	sadd.s32 $0x88, s3;
	s6 =	simm.s32 @!p1 $0x1082;
	[sflag:s4] =	ssyncset.s32 $0xFFFFF086  }
0x25: {  	[simem:s6], [sflag:s4] =	dma.local [hbm:s3], $0xF7A  }
0x26: {  	[smem:$0x3F9D] =	sst s1;
	(tag) =	ssettag s2;
	_ =	strace s9  }
0x27: {  	s1 =	sld [smem:$0x3FAD]  }
0x28: {  	s2 =	sld [smem:$0x3FAE]  }
0x29: {  	s4 =	sld [smem:$0x3FB0]  }
0x2a: {  	p0 =	seq.s32 s5, $0x0;
	s5 =	sld [smem:$0x3FB1]  }
0x2b: {  	s6 =	sld [smem:$0x3FB2]  }
0x2c: {  	s7 =	sld [smem:$0x3FB3]  }
0x2d: {  	s3 =	simm.s32 $0x108;
	s8 =	sld [smem:$0x3FB4]  }
0x2e: {  	s3 =	simm.s32 @!p0 $0x1082;
	s9 =	sld [smem:$0x3FB5]  }
0x2f: {  	lr =	sadd.s32 s0, s3;
	s0 =	sld [smem:$0x3FAC]  }
0x30: {  	s3 =	sld [smem:$0x3FAF]  }
0x31: {  	[smem:$0x3FB8] =	sst s10  }
0x32: {  	s10 =	sld [smem:$0x3FB6];
	_ =	sdelay $0x3  }
0x33: {  	p0 =	seq.s32 s10, $0x1;
	s10 =	sld [smem:$0x3FB8];
	_ =	sdelay $0x3  }
0x34: {  	[smem:$0x3FB8] =	sst s10  }
0x35: {  	s10 =	sld [smem:$0x3FB7];
	_ =	sdelay $0x3  }
0x36: {  	p1 =	seq.s32 s10, $0x1;
	s10 =	sld [smem:$0x3FB8];
	_ =	sdelay $0x3  }
0x37: {  	[smem:$0x3FB8] =	sst s10  }
0x38: {  	s10 =	sld [smem:$0x3FB9]  }
0x39: {  	_ = 	snop;
	(pc) =	sbr.ind lr, $3  }
0x3a: {  	_ = 	snop  }
0x3b: {  	_ = 	snop  }
0x3c: {  	p2 =	seq.s32 s10, $0x1;
	s10 =	sld [smem:$0x3FB8]  }
0x3d: {  	_ =	shalt  }
0x3e: {  	_ =	shalt  }
0x3f: {  	_ =	shalt  }
0x40: {  	_ =	shalt  }
0x41: {  	_ =	shalt  }
0x42: {  	_ =	shalt  }
0x43: {  	_ =	shalt  }
0x44: {  	_ =	shalt  }
0x45: {  	_ =	shalt  }
0x46: {  	_ =	shalt  }
0x47: {  	_ =	shalt  }
0x48: {  	_ =	shalt  }
0x49: {  	_ =	shalt  }
0x4a: {  	_ =	shalt  }
0x4b: {  	_ =	shalt  }
0x4c: {  	_ =	shalt  }
0x4d: {  	_ =	shalt  }
0x4e: {  	_ =	shalt  }
0x4f: {  	_ =	shalt  }
0x50: {  	_ =	shalt  }
0x51: {  	_ =	shalt  }
0x52: {  	_ =	shalt  }
0x53: {  	_ =	shalt  }
0x54: {  	_ =	shalt  }
0x55: {  	_ =	shalt  }
0x56: {  	_ =	shalt  }
0x57: {  	_ =	shalt  }
0x58: {  	_ =	shalt  }
0x59: {  	_ =	shalt  }
0x5a: {  	_ =	shalt  }
0x5b: {  	_ =	shalt  }
0x5c: {  	_ =	shalt  }
0x5d: {  	_ =	shalt  }
0x5e: {  	_ =	shalt  }
0x5f: {  	_ =	shalt  }
0x60: {  	_ =	shalt  }
0x61: {  	_ =	shalt  }
0x62: {  	_ =	shalt  }
0x63: {  	_ =	shalt  }
0x64: {  	_ =	shalt  }
0x65: {  	_ =	shalt  }
0x66: {  	_ =	shalt  }
0x67: {  	_ =	shalt  }
0x68: {  	_ =	shalt  }
0x69: {  	_ =	shalt  }
0x6a: {  	_ =	shalt  }
0x6b: {  	_ =	shalt  }
0x6c: {  	_ =	shalt  }
0x6d: {  	_ =	shalt  }
0x6e: {  	_ =	shalt  }
0x6f: {  	_ =	shalt  }
0x70: {  	_ =	shalt  }
0x71: {  	_ =	shalt  }
0x72: {  	_ =	shalt  }
0x73: {  	_ =	shalt  }
0x74: {  	_ =	shalt  }
0x75: {  	_ =	shalt  }
0x76: {  	_ =	shalt  }
0x77: {  	_ =	shalt  }
0x78: {  	_ =	shalt  }
0x79: {  	_ =	shalt  }
0x7a: {  	_ =	shalt  }
0x7b: {  	_ =	shalt  }
0x7c: {  	_ =	shalt  }
0x7d: {  	_ =	shalt  }
0x7e: {  	_ =	shalt  }
0x7f: {  	_ =	shalt  }
0x80: {  	_ =	shalt  }
0x81: {  	_ =	shalt  }
0x82: {  	_ =	shalt  }
0x83: {  	_ =	shalt  }
0x84: {  	_ =	shalt  }
0x85: {  	_ =	shalt  }
0x86: {  	_ =	shalt  }
0x87: {  	_ =	shalt  }
.Lfunc_end0:
.L_simem_size_0:
called_computation_lowered:
.L_overlay_start_0:
0x88: {  	s2 =	sld [smem:$0x3FD9]  }
0x89: {  	s3 =	sld [smem:$0x3FFE];
	_ =	sdelay $0x1  }
0x8a: {  	s1 =	srdreg.scid  }
0x8b: {  	s0 =	sand.u32 $0x1, s1  }
0x8c: {  	s17 =	sshll.u32 s0, $0xA;
	s2 =	sadd.s32 s3, s2  }
0x8d: {  	s2 =	sadd.s32 s2, s17  }
0x8e: {  	[smem:$0x3FC4] =	sst s2  }
0x8f: {  	_ = 	snop  }
0x90: {  	s2 =	sld [smem:$0x3FD0];
	(tm) =	ssettm $0x1  }
0x91: {  	s18 =	sld [smem:$0x3FFB];
	_ =	sdelay $0x3  }
0x92: {  	_ =	strace s18  }
0x93: {  	s3 =	sld [smem:$0x3FFC];
	_ =	sdelay $0x3  }
0x94: {  	_ =	strace s3  }
0x95: {  	s3 =	sld [smem:$0x3FFD];
	_ =	sdelay $0x3  }
0x96: {  	_ =	strace s3  }
0x97: {  	_ =	strace $0x8FFFFFFF  }
0x98: {  	s19 =	sld [smem:$0x3FDB];
	_ =	sdelay $0x1  }
0x99: {  	s4 =	simm.s32 $_scs_section_size  }
0x9a: {  	s5 =	simm.s32 $_size__tile_overlayer_lowered;
	s6 =	simm.s32 $_tile_overlayer_lowered  }
0x9b: {  	s22 =	simm.s32 $0x1BFF;
	s21 =	sshll.u32 s6, $0x1;
	s3 =	sadd.s32 s4, s19  }
0x9c: {  	s7 =	simm.s32 $0x0;
	s20 =	sshll.u32 s5, $0x1;
	s5 =	sadd.s32 s21, s3  }
0x9d: {  	[timem:s7], [sflag:s22] =	dma.local [hbm:s5], s20  }
0x9e: {  	_ =	swait.ge [sflag:s22], s20  }
0x9f: {  	s4 =	ssub.s32 $0x0, s20;
	[sflag:s22] =	ssyncset.done $0x0  }
0xa0: {  	[sflag:s22] =	ssyncadd.s32 s4;
	_ =	sdelay $0x1  }
0xa1: {  	s23 =	simm.s32 $0x1B8B  }
0xa2: {  	_ =	swait.ge [sflag:s23], $0x1  }
0xa3: {  	[sflag:s23] =	ssyncset.done $0x0  }
0xa4: {  	s25 =	simm.s32 $0x1B8E;
	s24 =	sld [smem:$0x3FFE];
	[sflag:s23] =	ssyncadd.s32 $0xFFFFFFFF  }
0xa5: {  	s26 =	simm.s32 $execute0_lowered;
	[smem:$0x3FD2] =	sst s25  }
0xa6: {  	s5 =	sshll.u32 s26, $0x1;
	_ =	strace $0x80000046;
	[dreg:$0x1] =	wrdreg $0xFFFFFFFF  }
0xa7: {  	s28 =	simm.s32 $_size_execute0_lowered;
	s3 =	sadd.s32 s3, s5;
	[dreg:$0x0] =	wrdreg $0x0  }
0xa8: {  	s5 =	sshll.u32 s28, $0x1;
	[dreg:$0x2] =	wrdreg s3  }
0xa9: {  	[dreg:$0x3] =	wrdreg s5  }
0xaa: {  	[dreg:$0x4] =	wrdreg $0xC0  }
0xab: {  	_ =	task [dreg:s7], $0x5FFFF  }
0xac: {  	[dreg:$0x1] =	wrdreg $0xFFFFFFFF  }
0xad: {  	[dreg:$0x0] =	wrdreg $0x60  }
0xae: {  	[dreg:$0x2] =	wrdreg s24  }
0xaf: {  	[dreg:$0x3] =	wrdreg s2  }
0xb0: {  	[dreg:$0x4] =	wrdreg $0x3C800  }
0xb1: {  	[dreg:$0x5] =	wrdreg $0x9  }
0xb2: {  	_ =	task.clear_ibuf [dreg:s7], $0x6FFFF;
	_ =	strace $0x90000046  }
0xb3: {  	s29 =	simm.s32 $0x9;
	_ =	strace $0x80000048  }
0xb4: {  	_ =	swait.ge [sflag:s29], $0x1  }
0xb5: {  	[sflag:s29] =	ssyncadd.s32 $0xFFFFFFFF  }
0xb6: {  	_ =	strace $0x90000048  }
0xb7: {  	_ =	sfence  }
0xb8: {  	s30 =	sld [smem:$0x0];
	_ =	sdelay $0x2  }
0xb9: {  	s31 =	sshll.u32 s1, $0xD;
	s1 =	sshrl.u32 s1, $0x2  }
0xba: {  	s3 =	sand.u32 $0x4000, s31;
	s1 =	sadd.s32 s1, s30  }
0xbb: {  	s0 =	sor.u32 s3, s0;
	s1 =	sshll.u32 s1, $0x11  }
0xbc: {  	s0 =	sor.u32 s1, s0  }
0xbd: {  	s0 =	sadd.s32 $0x8F2B, s0  }
0xbe: {  	[sflag:s0] =	ssyncadd.remote.s32 $0x1  }
0xbf: {  	_ =	sfence.sel $0xFFFF  }
0xc0: {  	[dreg:$0x0] =	wrdreg $0xFFFFFFFF;
	(pc) =	sbr.abs _section_cstart, $3  }
0xc1: {  	[dreg:$0x1] =	wrdreg $0xFFFFFFFF  }
0xc2: {  	_ =	task.clear_ibuf [dreg:s7], $0x2FFFF;
	_ =	strace $0x9FFFFFFF  }
0xc3: {  	(tm) =	ssettm $0x7FFFFFFF  }
tec
execute0_lowered:
.L_overlay_start_1:
0x0: {  	(tag) =	ssettag $0x1  }
0x1: {  	s5 =	rddreg [dreg:$0x0]  }
0x2: {  	s8 =	rddreg [dreg:$0x1]  }
0x3: {  	s0 =	srdreg.scid;
	s2 =	rddreg [dreg:$0x2];
	s3 =	simm.s32 $0x0  }
0x4: {  	s12 =	simm.s32 $0x3C00;
	s15 =	simm.s32 $0x50;
	s16 =	simm.s32 $0x0  }
0x5: {  	s6 =	sand.u32 $0x1, s0;
	s0 =	stileid.u32;
	[smem:$0x7FF] =	sst s3  }
0x6: {  	s1 =	sshll.u32 s6, $0x4;
	s9 =	ssub.s32 $0x2, s6;
	s10 =	smul.u32 $0x2800, s6  }
0x7: {  	s11 =	sshll.u32 s0, $0xA;
	s30 =	sshll.u32 s0, $0x7;
	p0 =	sgt.u32 s0, $0x9  }
0x8: {  	s4 =	sor.u32 s0, s1;
	s1 =	rddreg [dreg:$0x3];
	_ =	strace $0x80000047  }
0x9: {  	s28 =	sshrl.u32 s9, $0x1;
	s14 =	sadd.s32 s11, s2;
	s13 =	sshll.u32 @!p0 s0, $0x6  }
0xa: {  	s4 =	smul.u32 $0x280, s4;
	s9 =	ssub.s32 s9, s28;
	s29 =	sadd.s32 s11, s10  }
0xb: {  	s10 =	simm.s32 $0x1;
	s11 =	simm.s32 $0x1400;
	s13 =	sor.u32 @!p0 $0x1C01, s13  }
0xc: {  	s14 =	sshrl.u32 @!p0 s14, $0x3;
	s31 =	sshrl.u32 s29, $0x3;
	s9 =	smax.u32 s9, $0x1  }
0xd: {  	s7 =	sadd.s32 s4, s5;
	s4 =	sadd.s32 $0xB600, s5;
	s5 =	sadd.s32 $0xB400, s5  }
0xe: {  	v0 =	vimm.f32 $1.000000000e+00;
	s8 =	sadd.s32 s8, s31;
	s6 =	sadd.s32 $0x1400, s7;
	s7 =	sadd.s32 s4, s30  }
.LBB2_1:
0xf: {  	[tilespmem:s3], [sflag:$0x1] =	stream.linear.gather [hbm4b:s6+s3], $0x1400, $0x38;
	[tilespmem:$0x3F00] =	vst v63  }
0x10: {  	_ =	swait.ge [sflag:s10], $0x1400  }
0x11: {  	[sflag:s10] =	ssyncset.done $0x0  }
0x12: {  	[sflag:s10] =	ssyncadd.s32 $0xFFFFEC00  }
0x13: {  	[tilespmem:s11], [sflag:$0x1] =	stream.linear.gather [hbm4b:s4+s3], $0x2800, $0x38;
	[tilespmem:$0x3F00] =	vst v63  }
0x14: {  	_ =	swait.ge [sflag:s10], $0x2800  }
0x15: {  	[sflag:s10] =	ssyncset.done $0x0  }
0x16: {  	[sflag:s10] =	ssyncadd.s32 $0xFFFFD800  }
0x17: {  	[tilespmem:s12], [sflag:$0x1] =	stream.linear.gather [hbm4b:s5+s3], $0x80, $0x38;
	[tilespmem:$0x3F00] =	vst v63  }
0x18: {  	_ =	swait.ge [sflag:s10], $0x80  }
0x19: {  	[sflag:s10] =	ssyncset.done $0x0  }
0x1a: {  	s17 =	simm.s32 @!p0 $0x1;
	[sflag:s10] =	ssyncadd.s32 $0xFFFFFF80  }
0x1b: {  	[spmem:s14], [sflag:s13] =	dma.local @!p0 [hbm:s7], $0x80  }
0x1c: {  	_ =	swait.ge @!p0 [sflag:s17], $0x80  }
0x1d: {  	[sflag:s17] =	ssyncset.done @!p0 $0x0  }
0x1e: {  	[sflag:s17] =	ssyncadd.s32 @!p0 $0xFFFFFF80;
	s17 =	simm.s32 $0x0  }
.LBB2_2:
0x1f: {  	s18 =	sshra.s32 s17, $0x2  }
0x20: {  	v1 =	vld [tilespmem:s18+$0x0];
	_ =	sdelay $0x7  }
0x21: {  	[tilespmem:v1+s11+$0x0] =	vst.idx.add.f32.msk $0xffff, v0  }
0x22: {  	v1 =	vld [tilespmem:s18+$0x10];
	_ =	sdelay $0x7  }
0x23: {  	[tilespmem:v1+s11+$0x0] =	vst.idx.add.f32.msk $0xffff, v0  }
0x24: {  	v1 =	vld [tilespmem:s18+$0x20];
	_ =	sdelay $0x7  }
0x25: {  	[tilespmem:v1+s11+$0x0] =	vst.idx.add.f32.msk $0xffff, v0  }
0x26: {  	v1 =	vld [tilespmem:s18+$0x30];
	_ =	sdelay $0x7  }
0x27: {  	[tilespmem:v1+s11+$0x0] =	vst.idx.add.f32.msk $0xffff, v0  }
0x28: {  	v1 =	vld [tilespmem:s18+$0x40];
	_ =	sdelay $0x7  }
0x29: {  	[tilespmem:v1+s11+$0x0] =	vst.idx.add.f32.msk $0xffff, v0  }
0x2a: {  	v1 =	vld [tilespmem:s18+$0x50];
	_ =	sdelay $0x7  }
0x2b: {  	[tilespmem:v1+s11+$0x0] =	vst.idx.add.f32.msk $0xffff, v0  }
0x2c: {  	v1 =	vld [tilespmem:s18+$0x60];
	_ =	sdelay $0x7  }
0x2d: {  	[tilespmem:v1+s11+$0x0] =	vst.idx.add.f32.msk $0xffff, v0  }
0x2e: {  	v1 =	vld [tilespmem:s18+$0x70];
	_ =	sdelay $0x2  }
0x2f: {  	p1 =	sne.s32 s17, $0x4E00  }
.Ltmp0:
0x30: {  	_ = 	snop;
	(pc) =	sbr.rel @p1 .LBB2_2-.Ltmp0, $2  }
0x31: {  	_ =	sdelay $0x2  }
0x32: {  	s17 =	sadd.s32 $0x200, s17;
	[tilespmem:v1+s11+$0x0] =	vst.idx.add.f32.msk $0xffff, v0  }
0x33: {  	[bflag:$0x0] =	sbarrier.arrive $0xFFFF  }
0x34: {  	[spmem:s2] =	stream.indirect.scatter.add.f32 [tilespmem:s11], [sflag:$0x1], $0x80, s12, s15, $0xb8;
	[tilespmem:$0x3F00] =	vst v63  }
0x35: {  	_ =	swait.ge [sflag:s10], $0x2800  }
0x36: {  	s16 =	sadd.s32 $0x1, s16;
	[sflag:s10] =	ssyncset.done $0x0  }
0x37: {  	p1 =	sne.s32 s16, s9;
	[sflag:s10] =	ssyncadd.s32 $0xFFFFD800  }
.Ltmp1:
0x38: {  	s17 =	simm.s32 @!p0 $0x1;
	[bflag:$0x0] =	sbarrier.arrive $0xFFFF;
	(pc) =	sbr.rel @p1 .LBB2_1-.Ltmp1, $4  }
0x39: {  	[hbm:s8], [sflag:s13] =	dma.local @!p0 [spmem:s14], $0x80  }
0x3a: {  	_ =	swait.ge @!p0 [sflag:s17], $0x80  }
0x3b: {  	[sflag:s17] =	ssyncset.done @!p0 $0x0  }
0x3c: {  	[sflag:s17] =	ssyncadd.s32 @!p0 $0xFFFFFF80  }
0x3d: {  	_ =	sfence.sel $0x180000  }
0x3e: {  	[bflag:$0x0] =	sbarrier.arrive $0xFFFF  }
0x3f: {  	p0 =	sne.s32 s0, $0x0;
	_ =	strace $0x90000047  }
0x40: {  	s0 =	sadd.s32 @!p0 $0x100000, s1;
	[bflag:$0x2] =	sbarrier.arrive $0xFFFF  }
0x41: {  	[sflag:s0] =	ssyncadd.tile.s32 @!p0 $0x1;
	_ =	shalt  }
.Lfunc_end2:
_tile_overlayer_lowered:
.L_overlay_start_2:
0x42: {  	(tag) =	ssettag $0x2  }
0x43: {  	s0 =	rddreg [dreg:$0x0];
	s2 =	stileid.u32  }
0x44: {  	s1 =	rddreg [dreg:$0x1];
	p0 =	sne.s32 s2, $0x0  }
0x45: {  	s3 =	rddreg [dreg:$0x2];
	[bflag:$0x3] =	sbarrier.arrive $0xFFFF;
	s2 =	simm.s32 @!p0 $0x1C01  }
0x46: {  	[timem:s3], [sflag:s2] =	dma.local @!p0 [hbm:s0], s1  }
0x47: {  	s0 =	simm.s32 @!p0 $0x1  }
0x48: {  	_ =	swait.ge @!p0 [sflag:s0], s1  }
0x49: {  	s1 =	ssub.s32 @!p0 $0x0, s1;
	[sflag:s0] =	ssyncset.done @!p0 $0x0  }
0x4a: {  	[sflag:s0] =	ssyncadd.s32 @!p0 s1  }
0x4b: {  	[bflag:$0x3] =	sbarrier.arrive $0xFFFF  }
0x4c: {  	_ =	shalt  }

// kernel: kernel.9.cloned.1.call-start
scs
__scs_entry_jumppad:
0x0: {  	(pc) =	sbr.rel $0x88, $3  }
0x1: {  	(tag) =	ssettag $0x0;
	lr =	simm.s32 $0x1  }
0x2: {  	[smem:$0x3F9D] =	sst lr;
	_ =	strace $0xD0000000  }
0x3: {  	_ = 	snop  }
0x4: {  	_ = 	snop  }
0x5: {  	_ = 	snop  }
0x6: {  	_ = 	snop  }
0x7: {  	_ = 	snop  }
__scs_overlays_trampoline_lowered:
0x8: {  	[smem:$0x3FAC] =	sst s0  }
0x9: {  	[smem:$0x3FAD] =	sst s1  }
0xa: {  	[smem:$0x3FAE] =	sst s2  }
0xb: {  	[smem:$0x3FAF] =	sst s3  }
0xc: {  	[smem:$0x3FB0] =	sst s4  }
0xd: {  	[smem:$0x3FB1] =	sst s5  }
0xe: {  	[smem:$0x3FB2] =	sst s6  }
0xf: {  	[smem:$0x3FB3] =	sst s7  }
0x10: {  	[smem:$0x3FB4] =	sst s8  }
0x11: {  	[smem:$0x3FB5] =	sst s9;
	s0 =	simm.s32 @!p0 $0x0  }
0x12: {  	s1 =	sld [smem:$0x3F9B];
	s0 =	simm.s32 @p0 $0x1  }
0x13: {  	[smem:$0x3FB6] =	sst s0;
	s0 =	simm.s32 @!p1 $0x0  }
0x14: {  	s2 =	sld [smem:$0x3F9A];
	s0 =	simm.s32 @p1 $0x1  }
0x15: {  	[smem:$0x3FB7] =	sst s0;
	s0 =	simm.s32 @!p2 $0x0  }
0x16: {  	s3 =	sld [smem:$0x3FDB];
	s0 =	simm.s32 @p2 $0x1  }
0x17: {  	s4 =	simm.s32 $0x1BF5;
	[smem:$0x3FB9] =	sst s0  }
0x18: {  	s0 =	sld [smem:$0x3F9C];
	_ =	swait.ge [sflag:s4], $0x0  }
0x19: {  	s7 =	sld [smem:$0x3F9D]  }
0x1a: {  	s8 =	sadd.s32 $0xFFFFE003, lr  }
0x1b: {  	s9 =	sadd.s32 $0xFFFFFEF7, lr;
	s5 =	simm.s32 $0xFFFFFFFF;
	p2 =	slt.u32 s8, $0xFFFFF086  }
0x1c: {  	p1 =	slt.u32 s9, $0xF7A;
	s5 =	simm.s32 @!p2 $0x0  }
0x1d: {  	s5 =	simm.s32 @p1 $0x1;
	p0 =	seq.s32 s7, s2  }
0x1e: {  	s7 =	smul.u32 @!p0 $0xF7A, s2;
	p2 =	seq.s32 @!p0 s5, $0x0  }
0x1f: {  	s9 =	smul.u32 $0xF7A, s1;
	s8 =	simm.s32 @!p0 $0x1BF5;
	p2 =	por !p2, p0  }
0x20: {  	[sflag:s8] =	ssyncset.s32 @!p0 $0xFFFFF086;
	s6 =	sadd.s32 @!p0 s3, s7;
	s7 =	simm.s32 @!p0 $0x108  }
0x21: {  	s3 =	sadd.s32 s3, s9;
	s6 =	sadd.s32 @!p0 $0x88, s6;
	s7 =	simm.s32 @p2 $0x1082  }
0x22: {  	[simem:s7], [sflag:s8] =	dma.local @!p0 [hbm:s6], $0xF7A  }
0x23: {  	s9 =	sor.u32 $0xD0000000, s2;
	s6 =	simm.s32 $0x108;
	_ =	swait.ge @!p0 [sflag:s8], $0x0  }
0x24: {  	s3 =	sadd.s32 $0x88, s3;
	s6 =	simm.s32 @!p1 $0x1082;
	[sflag:s4] =	ssyncset.s32 $0xFFFFF086  }
0x25: {  	[simem:s6], [sflag:s4] =	dma.local [hbm:s3], $0xF7A  }
0x26: {  	[smem:$0x3F9D] =	sst s1;
	(tag) =	ssettag s2;
	_ =	strace s9  }
0x27: {  	s1 =	sld [smem:$0x3FAD]  }
0x28: {  	s2 =	sld [smem:$0x3FAE]  }
0x29: {  	s4 =	sld [smem:$0x3FB0]  }
0x2a: {  	p0 =	seq.s32 s5, $0x0;
	s5 =	sld [smem:$0x3FB1]  }
0x2b: {  	s6 =	sld [smem:$0x3FB2]  }
0x2c: {  	s7 =	sld [smem:$0x3FB3]  }
0x2d: {  	s3 =	simm.s32 $0x108;
	s8 =	sld [smem:$0x3FB4]  }
0x2e: {  	s3 =	simm.s32 @!p0 $0x1082;
	s9 =	sld [smem:$0x3FB5]  }
0x2f: {  	lr =	sadd.s32 s0, s3;
	s0 =	sld [smem:$0x3FAC]  }
0x30: {  	s3 =	sld [smem:$0x3FAF]  }
0x31: {  	[smem:$0x3FB8] =	sst s10  }
0x32: {  	s10 =	sld [smem:$0x3FB6];
	_ =	sdelay $0x3  }
0x33: {  	p0 =	seq.s32 s10, $0x1;
	s10 =	sld [smem:$0x3FB8];
	_ =	sdelay $0x3  }
0x34: {  	[smem:$0x3FB8] =	sst s10  }
0x35: {  	s10 =	sld [smem:$0x3FB7];
	_ =	sdelay $0x3  }
0x36: {  	p1 =	seq.s32 s10, $0x1;
	s10 =	sld [smem:$0x3FB8];
	_ =	sdelay $0x3  }
0x37: {  	[smem:$0x3FB8] =	sst s10  }
0x38: {  	s10 =	sld [smem:$0x3FB9]  }
0x39: {  	_ = 	snop;
	(pc) =	sbr.ind lr, $3  }
0x3a: {  	_ = 	snop  }
0x3b: {  	_ = 	snop  }
0x3c: {  	p2 =	seq.s32 s10, $0x1;
	s10 =	sld [smem:$0x3FB8]  }
0x3d: {  	_ =	shalt  }
0x3e: {  	_ =	shalt  }
0x3f: {  	_ =	shalt  }
0x40: {  	_ =	shalt  }
0x41: {  	_ =	shalt  }
0x42: {  	_ =	shalt  }
0x43: {  	_ =	shalt  }
0x44: {  	_ =	shalt  }
0x45: {  	_ =	shalt  }
0x46: {  	_ =	shalt  }
0x47: {  	_ =	shalt  }
0x48: {  	_ =	shalt  }
0x49: {  	_ =	shalt  }
0x4a: {  	_ =	shalt  }
0x4b: {  	_ =	shalt  }
0x4c: {  	_ =	shalt  }
0x4d: {  	_ =	shalt  }
0x4e: {  	_ =	shalt  }
0x4f: {  	_ =	shalt  }
0x50: {  	_ =	shalt  }
0x51: {  	_ =	shalt  }
0x52: {  	_ =	shalt  }
0x53: {  	_ =	shalt  }
0x54: {  	_ =	shalt  }
0x55: {  	_ =	shalt  }
0x56: {  	_ =	shalt  }
0x57: {  	_ =	shalt  }
0x58: {  	_ =	shalt  }
0x59: {  	_ =	shalt  }
0x5a: {  	_ =	shalt  }
0x5b: {  	_ =	shalt  }
0x5c: {  	_ =	shalt  }
0x5d: {  	_ =	shalt  }
0x5e: {  	_ =	shalt  }
0x5f: {  	_ =	shalt  }
0x60: {  	_ =	shalt  }
0x61: {  	_ =	shalt  }
0x62: {  	_ =	shalt  }
0x63: {  	_ =	shalt  }
0x64: {  	_ =	shalt  }
0x65: {  	_ =	shalt  }
0x66: {  	_ =	shalt  }
0x67: {  	_ =	shalt  }
0x68: {  	_ =	shalt  }
0x69: {  	_ =	shalt  }
0x6a: {  	_ =	shalt  }
0x6b: {  	_ =	shalt  }
0x6c: {  	_ =	shalt  }
0x6d: {  	_ =	shalt  }
0x6e: {  	_ =	shalt  }
0x6f: {  	_ =	shalt  }
0x70: {  	_ =	shalt  }
0x71: {  	_ =	shalt  }
0x72: {  	_ =	shalt  }
0x73: {  	_ =	shalt  }
0x74: {  	_ =	shalt  }
0x75: {  	_ =	shalt  }
0x76: {  	_ =	shalt  }
0x77: {  	_ =	shalt  }
0x78: {  	_ =	shalt  }
0x79: {  	_ =	shalt  }
0x7a: {  	_ =	shalt  }
0x7b: {  	_ =	shalt  }
0x7c: {  	_ =	shalt  }
0x7d: {  	_ =	shalt  }
0x7e: {  	_ =	shalt  }
0x7f: {  	_ =	shalt  }
0x80: {  	_ =	shalt  }
0x81: {  	_ =	shalt  }
0x82: {  	_ =	shalt  }
0x83: {  	_ =	shalt  }
0x84: {  	_ =	shalt  }
0x85: {  	_ =	shalt  }
0x86: {  	_ =	shalt  }
0x87: {  	_ =	shalt  }
.Lfunc_end0:
.L_simem_size_0:
called_computation.1_lowered:
.L_overlay_start_0:
0x88: {  	s2 =	sld [smem:$0x3FD9]  }
0x89: {  	s3 =	sld [smem:$0x3FFE];
	_ =	sdelay $0x1  }
0x8a: {  	s1 =	srdreg.scid  }
0x8b: {  	s0 =	sand.u32 $0x1, s1  }
0x8c: {  	s17 =	sshll.u32 s0, $0xA;
	s2 =	sadd.s32 s3, s2  }
0x8d: {  	s2 =	sadd.s32 s2, s17  }
0x8e: {  	[smem:$0x3FC4] =	sst s2  }
0x8f: {  	_ = 	snop  }
0x90: {  	s2 =	sld [smem:$0x3FD0];
	(tm) =	ssettm $0x1  }
0x91: {  	s18 =	sld [smem:$0x3FFB];
	_ =	sdelay $0x3  }
0x92: {  	_ =	strace s18  }
0x93: {  	s3 =	sld [smem:$0x3FFC];
	_ =	sdelay $0x3  }
0x94: {  	_ =	strace s3  }
0x95: {  	s3 =	sld [smem:$0x3FFD];
	_ =	sdelay $0x3  }
0x96: {  	_ =	strace s3  }
0x97: {  	_ =	strace $0x8FFFFFFF  }
0x98: {  	s19 =	sld [smem:$0x3FDB];
	_ =	sdelay $0x1  }
0x99: {  	s4 =	simm.s32 $_scs_section_size  }
0x9a: {  	s5 =	simm.s32 $_size__tile_overlayer_lowered;
	s6 =	simm.s32 $_tile_overlayer_lowered  }
0x9b: {  	s22 =	simm.s32 $0x1BFF;
	s21 =	sshll.u32 s6, $0x1;
	s3 =	sadd.s32 s4, s19  }
0x9c: {  	s7 =	simm.s32 $0x0;
	s20 =	sshll.u32 s5, $0x1;
	s5 =	sadd.s32 s21, s3  }
0x9d: {  	[timem:s7], [sflag:s22] =	dma.local [hbm:s5], s20  }
0x9e: {  	_ =	swait.ge [sflag:s22], s20  }
0x9f: {  	s4 =	ssub.s32 $0x0, s20;
	[sflag:s22] =	ssyncset.done $0x0  }
0xa0: {  	[sflag:s22] =	ssyncadd.s32 s4;
	_ =	sdelay $0x1  }
0xa1: {  	s23 =	simm.s32 $0x1B8B  }
0xa2: {  	_ =	swait.ge [sflag:s23], $0x1  }
0xa3: {  	[sflag:s23] =	ssyncset.done $0x0  }
0xa4: {  	s25 =	simm.s32 $0x1B8E;
	s24 =	sld [smem:$0x3FFE];
	[sflag:s23] =	ssyncadd.s32 $0xFFFFFFFF  }
0xa5: {  	s26 =	simm.s32 $execute0_lowered;
	[smem:$0x3FD2] =	sst s25  }
0xa6: {  	s5 =	sshll.u32 s26, $0x1;
	_ =	strace $0x80000049;
	[dreg:$0x1] =	wrdreg $0xFFFFFFFF  }
0xa7: {  	s28 =	simm.s32 $_size_execute0_lowered;
	s3 =	sadd.s32 s3, s5;
	[dreg:$0x0] =	wrdreg $0x0  }
0xa8: {  	s5 =	sshll.u32 s28, $0x1;
	[dreg:$0x2] =	wrdreg s3  }
0xa9: {  	[dreg:$0x3] =	wrdreg s5  }
0xaa: {  	[dreg:$0x4] =	wrdreg $0xC0  }
0xab: {  	_ =	task [dreg:s7], $0x5FFFF  }
0xac: {  	[dreg:$0x1] =	wrdreg $0xFFFFFFFF  }
0xad: {  	[dreg:$0x0] =	wrdreg $0x60  }
0xae: {  	[dreg:$0x2] =	wrdreg s24  }
0xaf: {  	[dreg:$0x3] =	wrdreg s2  }
0xb0: {  	[dreg:$0x4] =	wrdreg $0x90000  }
0xb1: {  	[dreg:$0x5] =	wrdreg $0x9  }
0xb2: {  	_ =	task.clear_ibuf [dreg:s7], $0x6FFFF;
	_ =	strace $0x90000049  }
0xb3: {  	s29 =	simm.s32 $0x9;
	_ =	strace $0x8000004B  }
0xb4: {  	_ =	swait.ge [sflag:s29], $0x1  }
0xb5: {  	[sflag:s29] =	ssyncadd.s32 $0xFFFFFFFF  }
0xb6: {  	_ =	strace $0x9000004B  }
0xb7: {  	_ =	sfence  }
0xb8: {  	s30 =	sld [smem:$0x0];
	_ =	sdelay $0x2  }
0xb9: {  	s31 =	sshll.u32 s1, $0xD;
	s1 =	sshrl.u32 s1, $0x2  }
0xba: {  	s3 =	sand.u32 $0x4000, s31;
	s1 =	sadd.s32 s1, s30  }
0xbb: {  	s0 =	sor.u32 s3, s0;
	s1 =	sshll.u32 s1, $0x11  }
0xbc: {  	s0 =	sor.u32 s1, s0  }
0xbd: {  	s0 =	sadd.s32 $0x8F2B, s0  }
0xbe: {  	[sflag:s0] =	ssyncadd.remote.s32 $0x1  }
0xbf: {  	_ =	sfence.sel $0xFFFF  }
0xc0: {  	[dreg:$0x0] =	wrdreg $0xFFFFFFFF;
	(pc) =	sbr.abs _section_cstart, $3  }
0xc1: {  	[dreg:$0x1] =	wrdreg $0xFFFFFFFF  }
0xc2: {  	_ =	task.clear_ibuf [dreg:s7], $0x2FFFF;
	_ =	strace $0x9FFFFFFF  }
0xc3: {  	(tm) =	ssettm $0x7FFFFFFF  }
tec
execute0_lowered:
.L_overlay_start_1:
0x0: {  	(tag) =	ssettag $0x1  }
0x1: {  	s0 =	rddreg [dreg:$0x0]  }
0x2: {  	s1 =	rddreg [dreg:$0x1]  }
0x3: {  	s2 =	rddreg [dreg:$0x2]  }
0x4: {  	s10 =	stileid.u32;
	s3 =	simm.s32 $0x0;
	s7 =	srdreg.scid  }
0x5: {  	s15 =	simm.s32 $0x3;
	s16 =	simm.s32 $0x800;
	s17 =	simm.s32 $0x80  }
0x6: {  	s18 =	simm.s32 $0x1000;
	s19 =	simm.s32 $0x5000;
	s20 =	simm.s32 $0x1  }
0x7: {  	s22 =	simm.s32 $0x2;
	s4 =	smul.u32 $0x500, s10;
	[smem:$0x7FF] =	sst s3  }
0x8: {  	s5 =	sadd.s32 $0xB400, s0;
	s7 =	sand.u32 $0x1, s7;
	s9 =	smul.u32 $0x4F000, s10  }
0x9: {  	s8 =	sadd.s32 $0x59800, s0;
	s11 =	smul.u32 $0x2780, s10;
	s31 =	sshll.u32 s10, $0x6  }
0xa: {  	_ =	strace $0x8000004A;
	[dreg:$0x4] =	wrdreg s8;
	s28 =	ssub.s32 $0x2, s7  }
0xb: {  	p0 =	seq.s32 s7, $0x1;
	s6 =	sadd.s32 s4, s0;
	s4 =	sadd.s32 $0x32600, s0  }
0xc: {  	s0 =	sadd.s32 $0x81000, s0;
	s29 =	sshrl.u32 s28, $0x1;
	s30 =	sshrl.u32 s9, $0x2  }
0xd: {  	[dreg:$0x6] =	wrdreg s11;
	s1 =	sadd.s32 s1, s11;
	s9 =	sor.u32 $0x1C03, s31  }
.Ltmp0:
0xe: {  	s11 =	simm.s32 $0x880;
	[dreg:$0x5] =	wrdreg s0;
	(pc) =	sbr.rel .LBB2_1-.Ltmp0, $4  }
0xf: {  	s0 =	ssub.s32 s28, s29;
	s8 =	sadd.s32 s30, s2;
	[dreg:$0x7] =	wrdreg s1  }
0x10: {  	s12 =	sadd.s32 $0x1400, s6;
	[dreg:$0x8] =	wrdreg s9;
	s0 =	smax.u32 s0, $0x1  }
0x11: {  	s13 =	sadd.s32 $0x6400, s6;
	s7 =	sshrl.u32 s8, $0x3;
	[dreg:$0x9] =	wrdreg s0  }
0x12: {  	s8 =	simm.s32 $0x100;
	s0 =	simm.s32 $0x0;
	[dreg:$0xa] =	wrdreg s7  }
.LBB2_7:
0x13: {  	s7 =	sadd.s32 s6, s13;
	[sflag:s15] =	ssyncadd.s32 $0xFFFFC000  }
0x14: {  	[tilespmem:s3], [sflag:$0x3] =	stream.linear.gather [hbm4b:s7+s3], $0x800, $0x38;
	[tilespmem:$0x1CC00] =	vst v63  }
0x15: {  	_ =	swait.ge [sflag:s15], $0x800  }
0x16: {  	[sflag:s15] =	ssyncset.done $0x0  }
0x17: {  	s9 =	sadd.s32 s6, s12;
	[sflag:s15] =	ssyncadd.s32 $0xFFFFF800  }
0x18: {  	[tilespmem:s16], [sflag:$0x3] =	stream.linear.gather [hbm4b:s9+s3], $0x800, $0x38;
	[tilespmem:$0x1CC00] =	vst v63  }
0x19: {  	_ =	swait.ge [sflag:s15], $0x800  }
0x1a: {  	[sflag:s15] =	ssyncset.done $0x0  }
0x1b: {  	[sflag:s15] =	ssyncadd.s32 $0xFFFFF800  }
0x1c: {  	[tilespmem:s18], [sflag:$0x1] =	stream.indirect.gather [hbm4b:s5+s17], $0x80, s3, s17, $0xb8;
	[tilespmem:$0x1CC00] =	vst v63  }
0x1d: {  	_ = 	snop  }
0x1e: {  	[tilespmem:s19], [sflag:$0x2] =	stream.indirect.gather [hbm4b:s5+s17], $0x80, s17, s17, $0xb8;
	[tilespmem:$0x1CC00] =	vst v63  }
0x1f: {  	_ =	swait.ge [sflag:s20], $0x4000  }
0x20: {  	[sflag:s20] =	ssyncset.done $0x0  }
0x21: {  	[sflag:s20] =	ssyncadd.s32 $0xFFFFC000  }
0x22: {  	[spmem:s2] =	stream.indirect.scatter.add.f32 [tilespmem:s18], [sflag:$0x3], $0x80, s16, s17, $0xb8;
	[tilespmem:$0x1CC00] =	vst v63  }
0x23: {  	_ =	swait.ge [sflag:s15], $0x4000  }
0x24: {  	[sflag:s15] =	ssyncset.done $0x0  }
0x25: {  	[sflag:s15] =	ssyncadd.s32 $0xFFFFC000  }
0x26: {  	[tilespmem:s18], [sflag:$0x1] =	stream.indirect.gather [hbm4b:s5+s17], $0x80, s8, s17, $0xb8;
	[tilespmem:$0x1CC00] =	vst v63  }
0x27: {  	_ =	swait.ge [sflag:s22], $0x4000  }
0x28: {  	[sflag:s22] =	ssyncset.done $0x0  }
0x29: {  	[sflag:s22] =	ssyncadd.s32 $0xFFFFC000  }
0x2a: {  	[spmem:s2] =	stream.indirect.scatter.add.f32 [tilespmem:s19], [sflag:$0x3], $0x80, s11, s17, $0xb8;
	[tilespmem:$0x1CC00] =	vst v63  }
0x2b: {  	_ =	swait.ge [sflag:s15], $0x4000  }
0x2c: {  	[sflag:s15] =	ssyncset.done $0x0  }
0x2d: {  	[sflag:s15] =	ssyncadd.s32 $0xFFFFC000  }
0x2e: {  	[tilespmem:s19], [sflag:$0x2] =	stream.indirect.gather [hbm4b:s5+s17], $0x80, s10, s17, $0xb8;
	[tilespmem:$0x1CC00] =	vst v63  }
0x2f: {  	_ =	swait.ge [sflag:s20], $0x4000  }
0x30: {  	[sflag:s20] =	ssyncset.done $0x0  }
0x31: {  	[sflag:s20] =	ssyncadd.s32 $0xFFFFC000  }
0x32: {  	[spmem:s2] =	stream.indirect.scatter.add.f32 [tilespmem:s18], [sflag:$0x3], $0x80, s14, s17, $0xb8;
	[tilespmem:$0x1CC00] =	vst v63  }
0x33: {  	_ =	swait.ge [sflag:s15], $0x4000  }
0x34: {  	[sflag:s15] =	ssyncset.done $0x0  }
0x35: {  	[sflag:s15] =	ssyncadd.s32 $0xFFFFC000  }
0x36: {  	[tilespmem:s18], [sflag:$0x1] =	stream.indirect.gather [hbm4b:s5+s17], $0x80, s21, s17, $0xb8;
	[tilespmem:$0x1CC00] =	vst v63  }
0x37: {  	_ =	swait.ge [sflag:s22], $0x4000  }
0x38: {  	[sflag:s22] =	ssyncset.done $0x0  }
0x39: {  	[sflag:s22] =	ssyncadd.s32 $0xFFFFC000  }
0x3a: {  	[spmem:s2] =	stream.indirect.scatter.add.f32 [tilespmem:s19], [sflag:$0x3], $0x80, s23, s17, $0xb8;
	[tilespmem:$0x1CC00] =	vst v63  }
0x3b: {  	_ =	swait.ge [sflag:s15], $0x4000  }
0x3c: {  	[sflag:s15] =	ssyncset.done $0x0  }
0x3d: {  	[sflag:s15] =	ssyncadd.s32 $0xFFFFC000  }
0x3e: {  	[tilespmem:s19], [sflag:$0x2] =	stream.indirect.gather [hbm4b:s5+s17], $0x80, s24, s17, $0xb8;
	[tilespmem:$0x1CC00] =	vst v63  }
0x3f: {  	_ =	swait.ge [sflag:s20], $0x4000  }
0x40: {  	[sflag:s20] =	ssyncset.done $0x0  }
0x41: {  	[sflag:s20] =	ssyncadd.s32 $0xFFFFC000  }
0x42: {  	[spmem:s2] =	stream.indirect.scatter.add.f32 [tilespmem:s18], [sflag:$0x3], $0x80, s25, s17, $0xb8;
	[tilespmem:$0x1CC00] =	vst v63  }
0x43: {  	_ =	swait.ge [sflag:s15], $0x4000  }
0x44: {  	[sflag:s15] =	ssyncset.done $0x0  }
0x45: {  	[sflag:s15] =	ssyncadd.s32 $0xFFFFC000  }
0x46: {  	[tilespmem:s18], [sflag:$0x1] =	stream.indirect.gather [hbm4b:s5+s17], $0x80, s26, s17, $0xb8;
	[tilespmem:$0x1CC00] =	vst v63  }
0x47: {  	_ =	swait.ge [sflag:s22], $0x4000  }
0x48: {  	[sflag:s22] =	ssyncset.done $0x0  }
0x49: {  	[sflag:s22] =	ssyncadd.s32 $0xFFFFC000  }
0x4a: {  	[spmem:s2] =	stream.indirect.scatter.add.f32 [tilespmem:s19], [sflag:$0x3], $0x80, s28, s17, $0xb8;
	[tilespmem:$0x1CC00] =	vst v63  }
0x4b: {  	_ =	swait.ge [sflag:s15], $0x4000  }
0x4c: {  	[sflag:s15] =	ssyncset.done $0x0  }
0x4d: {  	[sflag:s15] =	ssyncadd.s32 $0xFFFFC000  }
0x4e: {  	[tilespmem:s19], [sflag:$0x2] =	stream.indirect.gather [hbm4b:s5+s17], $0x80, s29, s17, $0xb8;
	[tilespmem:$0x1CC00] =	vst v63  }
0x4f: {  	_ =	swait.ge [sflag:s20], $0x4000  }
0x50: {  	[sflag:s20] =	ssyncset.done $0x0  }
0x51: {  	[sflag:s20] =	ssyncadd.s32 $0xFFFFC000  }
0x52: {  	[spmem:s2] =	stream.indirect.scatter.add.f32 [tilespmem:s18], [sflag:$0x3], $0x80, s30, s17, $0xb8;
	[tilespmem:$0x1CC00] =	vst v63  }
0x53: {  	_ =	swait.ge [sflag:s15], $0x4000  }
0x54: {  	[sflag:s15] =	ssyncset.done $0x0  }
0x55: {  	[sflag:s15] =	ssyncadd.s32 $0xFFFFC000  }
0x56: {  	[tilespmem:s18], [sflag:$0x1] =	stream.indirect.gather [hbm4b:s5+s17], $0x80, s31, s17, $0xb8;
	[tilespmem:$0x1CC00] =	vst v63  }
0x57: {  	_ =	swait.ge [sflag:s22], $0x4000  }
0x58: {  	[sflag:s22] =	ssyncset.done $0x0  }
0x59: {  	[sflag:s22] =	ssyncadd.s32 $0xFFFFC000  }
0x5a: {  	[spmem:s2] =	stream.indirect.scatter.add.f32 [tilespmem:s19], [sflag:$0x3], $0x80, s0, s17, $0xb8;
	[tilespmem:$0x1CC00] =	vst v63  }
0x5b: {  	_ =	swait.ge [sflag:s15], $0x4000  }
0x5c: {  	[sflag:s15] =	ssyncset.done $0x0  }
0x5d: {  	[sflag:s15] =	ssyncadd.s32 $0xFFFFC000  }
0x5e: {  	[tilespmem:s19], [sflag:$0x2] =	stream.indirect.gather [hbm4b:s5+s17], $0x80, s1, s17, $0xb8;
	[tilespmem:$0x1CC00] =	vst v63  }
0x5f: {  	_ =	swait.ge [sflag:s20], $0x4000  }
0x60: {  	[sflag:s20] =	ssyncset.done $0x0  }
0x61: {  	s6 =	simm.s32 $0xC00;
	[sflag:s20] =	ssyncadd.s32 $0xFFFFC000  }
0x62: {  	[spmem:s2] =	stream.indirect.scatter.add.f32 [tilespmem:s18], [sflag:$0x3], $0x80, s6, s17, $0xb8;
	[tilespmem:$0x1CC00] =	vst v63  }
0x63: {  	_ =	swait.ge [sflag:s15], $0x4000  }
0x64: {  	[sflag:s15] =	ssyncset.done $0x0  }
0x65: {  	s7 =	simm.s32 $0x500;
	[sflag:s15] =	ssyncadd.s32 $0xFFFFC000  }
0x66: {  	[tilespmem:s18], [sflag:$0x1] =	stream.indirect.gather [hbm4b:s5+s17], $0x80, s7, s17, $0xb8;
	[tilespmem:$0x1CC00] =	vst v63  }
0x67: {  	_ =	swait.ge [sflag:s22], $0x4000  }
0x68: {  	[sflag:s22] =	ssyncset.done $0x0  }
0x69: {  	s9 =	simm.s32 $0xC80;
	[sflag:s22] =	ssyncadd.s32 $0xFFFFC000  }
0x6a: {  	[spmem:s2] =	stream.indirect.scatter.add.f32 [tilespmem:s19], [sflag:$0x3], $0x80, s9, s17, $0xb8;
	[tilespmem:$0x1CC00] =	vst v63  }
0x6b: {  	_ =	swait.ge [sflag:s15], $0x4000  }
0x6c: {  	[sflag:s15] =	ssyncset.done $0x0  }
0x6d: {  	s10 =	simm.s32 $0x580;
	[sflag:s15] =	ssyncadd.s32 $0xFFFFC000  }
0x6e: {  	[tilespmem:s19], [sflag:$0x2] =	stream.indirect.gather [hbm4b:s5+s17], $0x80, s10, s17, $0xb8;
	[tilespmem:$0x1CC00] =	vst v63  }
0x6f: {  	_ =	swait.ge [sflag:s20], $0x4000  }
0x70: {  	[sflag:s20] =	ssyncset.done $0x0  }
0x71: {  	s14 =	simm.s32 $0xD00;
	[sflag:s20] =	ssyncadd.s32 $0xFFFFC000  }
0x72: {  	[spmem:s2] =	stream.indirect.scatter.add.f32 [tilespmem:s18], [sflag:$0x3], $0x80, s14, s17, $0xb8;
	[tilespmem:$0x1CC00] =	vst v63  }
0x73: {  	_ =	swait.ge [sflag:s15], $0x4000  }
0x74: {  	[sflag:s15] =	ssyncset.done $0x0  }
0x75: {  	s21 =	simm.s32 $0x600;
	[sflag:s15] =	ssyncadd.s32 $0xFFFFC000  }
0x76: {  	[tilespmem:s18], [sflag:$0x1] =	stream.indirect.gather [hbm4b:s5+s17], $0x80, s21, s17, $0xb8;
	[tilespmem:$0x1CC00] =	vst v63  }
0x77: {  	_ =	swait.ge [sflag:s22], $0x4000  }
0x78: {  	[sflag:s22] =	ssyncset.done $0x0  }
0x79: {  	s23 =	simm.s32 $0xD80;
	[sflag:s22] =	ssyncadd.s32 $0xFFFFC000  }
0x7a: {  	[spmem:s2] =	stream.indirect.scatter.add.f32 [tilespmem:s19], [sflag:$0x3], $0x80, s23, s17, $0xb8;
	[tilespmem:$0x1CC00] =	vst v63  }
0x7b: {  	_ =	swait.ge [sflag:s15], $0x4000  }
0x7c: {  	[sflag:s15] =	ssyncset.done $0x0  }
0x7d: {  	s24 =	simm.s32 $0x680;
	[sflag:s15] =	ssyncadd.s32 $0xFFFFC000  }
0x7e: {  	[tilespmem:s19], [sflag:$0x2] =	stream.indirect.gather [hbm4b:s5+s17], $0x80, s24, s17, $0xb8;
	[tilespmem:$0x1CC00] =	vst v63  }
0x7f: {  	_ =	swait.ge [sflag:s20], $0x4000  }
0x80: {  	[sflag:s20] =	ssyncset.done $0x0  }
0x81: {  	s25 =	simm.s32 $0xE00;
	[sflag:s20] =	ssyncadd.s32 $0xFFFFC000  }
0x82: {  	[spmem:s2] =	stream.indirect.scatter.add.f32 [tilespmem:s18], [sflag:$0x3], $0x80, s25, s17, $0xb8;
	[tilespmem:$0x1CC00] =	vst v63  }
0x83: {  	_ =	swait.ge [sflag:s15], $0x4000  }
0x84: {  	[sflag:s15] =	ssyncset.done $0x0  }
0x85: {  	s26 =	simm.s32 $0x700;
	[sflag:s15] =	ssyncadd.s32 $0xFFFFC000  }
0x86: {  	[tilespmem:s18], [sflag:$0x1] =	stream.indirect.gather [hbm4b:s5+s17], $0x80, s26, s17, $0xb8;
	[tilespmem:$0x1CC00] =	vst v63  }
0x87: {  	_ =	swait.ge [sflag:s22], $0x4000  }
0x88: {  	[sflag:s22] =	ssyncset.done $0x0  }
0x89: {  	s28 =	simm.s32 $0xE80;
	[sflag:s22] =	ssyncadd.s32 $0xFFFFC000  }
0x8a: {  	[spmem:s2] =	stream.indirect.scatter.add.f32 [tilespmem:s19], [sflag:$0x3], $0x80, s28, s17, $0xb8;
	[tilespmem:$0x1CC00] =	vst v63  }
0x8b: {  	_ =	swait.ge [sflag:s15], $0x4000  }
0x8c: {  	[sflag:s15] =	ssyncset.done $0x0  }
0x8d: {  	s29 =	simm.s32 $0x780;
	[sflag:s15] =	ssyncadd.s32 $0xFFFFC000  }
0x8e: {  	[tilespmem:s19], [sflag:$0x2] =	stream.indirect.gather [hbm4b:s5+s17], $0x80, s29, s17, $0xb8;
	[tilespmem:$0x1CC00] =	vst v63  }
0x8f: {  	_ =	swait.ge [sflag:s20], $0x4000  }
0x90: {  	[sflag:s20] =	ssyncset.done $0x0  }
0x91: {  	s30 =	simm.s32 $0xF00;
	[sflag:s20] =	ssyncadd.s32 $0xFFFFC000  }
0x92: {  	[spmem:s2] =	stream.indirect.scatter.add.f32 [tilespmem:s18], [sflag:$0x3], $0x80, s30, s17, $0xb8;
	[tilespmem:$0x1CC00] =	vst v63  }
0x93: {  	_ =	swait.ge [sflag:s15], $0x4000  }
0x94: {  	[sflag:s15] =	ssyncset.done $0x0  }
0x95: {  	[sflag:s15] =	ssyncadd.s32 $0xFFFFC000  }
0x96: {  	_ =	swait.ge [sflag:s22], $0x4000  }
0x97: {  	[sflag:s22] =	ssyncset.done $0x0  }
0x98: {  	s31 =	simm.s32 $0xF80;
	[sflag:s22] =	ssyncadd.s32 $0xFFFFC000  }
0x99: {  	[spmem:s2] =	stream.indirect.scatter.add.f32 [tilespmem:s19], [sflag:$0x3], $0x80, s31, s17, $0xb8;
	[tilespmem:$0x1CC00] =	vst v63  }
0x9a: {  	_ =	swait.ge [sflag:s15], $0x4000  }
0x9b: {  	[sflag:s15] =	ssyncset.done $0x0;
	s6 =	rddreg [dreg:$0x5]  }
0x9c: {  	s0 =	rddreg [dreg:$0xb];
	[sflag:s15] =	ssyncadd.s32 $0xFFFFC000  }
.LBB2_8:
0x9d: {  	s7 =	rddreg [dreg:$0x6];
	[bflag:$0x0] =	sbarrier.arrive $0xFFFF  }
0x9e: {  	s9 =	rddreg [dreg:$0x8]  }
0x9f: {  	s6 =	sadd.s32 s6, s7;
	s7 =	rddreg [dreg:$0xa]  }
0xa0: {  	[hbm:s6], [sflag:s9] =	dma.local [spmem:s7], $0x2780  }
0xa1: {  	_ =	swait.ge [sflag:s15], $0x2780  }
0xa2: {  	s0 =	sadd.s32 $0x1, s0;
	s31 =	rddreg [dreg:$0x9]  }
0xa3: {  	p1 =	sne.s32 s0, s31  }
.Ltmp1:
0xa4: {  	_ = 	snop;
	(pc) =	sbr.rel @!p1 .LBB2_9-.Ltmp1, $3  }
0xa5: {  	_ =	sdelay $0x1  }
0xa6: {  	[sflag:s15] =	ssyncset.done $0x0  }
0xa7: {  	[sflag:s15] =	ssyncadd.s32 $0xFFFFD880  }
.LBB2_1:
0xa8: {  	[dreg:$0xb] =	wrdreg s0  }
0xa9: {  	s6 =	rddreg [dreg:$0x7]  }
0xaa: {  	[spmem:s7], [sflag:s9] =	dma.local [hbm:s6], $0x2780  }
.Ltmp2:
0xab: {  	_ =	swait.ge [sflag:s15], $0x2780;
	(pc) =	sbr.rel @!p0 .LBB2_2-.Ltmp2, $4  }
0xac: {  	[sflag:s15] =	ssyncset.done $0x0  }
0xad: {  	[sflag:s15] =	ssyncadd.s32 $0xFFFFD880  }
0xae: {  	[bflag:$0x0] =	sbarrier.arrive $0xFFFF  }
0xaf: {  	s6 =	sadd.s32 $0x0, s13  }
0xb0: {  	[tilespmem:s3], [sflag:$0x3] =	stream.linear.gather [hbm4b:s6+s3], $0x800, $0x38;
	[tilespmem:$0x1CC00] =	vst v63  }
0xb1: {  	_ =	swait.ge [sflag:s15], $0x800  }
0xb2: {  	[sflag:s15] =	ssyncset.done $0x0  }
0xb3: {  	s7 =	sadd.s32 $0x0, s12;
	[sflag:s15] =	ssyncadd.s32 $0xFFFFF800  }
0xb4: {  	[tilespmem:s16], [sflag:$0x3] =	stream.linear.gather [hbm4b:s7+s3], $0x800, $0x38;
	[tilespmem:$0x1CC00] =	vst v63  }
0xb5: {  	_ =	swait.ge [sflag:s15], $0x800  }
0xb6: {  	[sflag:s15] =	ssyncset.done $0x0  }
0xb7: {  	[sflag:s15] =	ssyncadd.s32 $0xFFFFF800  }
0xb8: {  	[tilespmem:s18], [sflag:$0x1] =	stream.indirect.gather [hbm4b:s5+s17], $0x80, s3, s17, $0xb8;
	[tilespmem:$0x1CC00] =	vst v63  }
0xb9: {  	_ = 	snop  }
0xba: {  	[tilespmem:s19], [sflag:$0x2] =	stream.indirect.gather [hbm4b:s5+s17], $0x80, s17, s17, $0xb8;
	[tilespmem:$0x1CC00] =	vst v63  }
0xbb: {  	_ =	swait.ge [sflag:s20], $0x4000  }
0xbc: {  	[sflag:s20] =	ssyncset.done $0x0  }
0xbd: {  	[sflag:s20] =	ssyncadd.s32 $0xFFFFC000  }
0xbe: {  	[spmem:s2] =	stream.indirect.scatter.add.f32 [tilespmem:s18], [sflag:$0x3], $0x80, s16, s17, $0xb8;
	[tilespmem:$0x1CC00] =	vst v63  }
0xbf: {  	_ =	swait.ge [sflag:s15], $0x4000  }
0xc0: {  	[sflag:s15] =	ssyncset.done $0x0  }
0xc1: {  	[sflag:s15] =	ssyncadd.s32 $0xFFFFC000  }
0xc2: {  	[tilespmem:s18], [sflag:$0x1] =	stream.indirect.gather [hbm4b:s5+s17], $0x80, s8, s17, $0xb8;
	[tilespmem:$0x1CC00] =	vst v63  }
0xc3: {  	_ =	swait.ge [sflag:s22], $0x4000  }
0xc4: {  	[sflag:s22] =	ssyncset.done $0x0  }
0xc5: {  	[sflag:s22] =	ssyncadd.s32 $0xFFFFC000  }
0xc6: {  	[spmem:s2] =	stream.indirect.scatter.add.f32 [tilespmem:s19], [sflag:$0x3], $0x80, s11, s17, $0xb8;
	[tilespmem:$0x1CC00] =	vst v63  }
0xc7: {  	_ =	swait.ge [sflag:s15], $0x4000  }
0xc8: {  	[sflag:s15] =	ssyncset.done $0x0  }
0xc9: {  	s10 =	simm.s32 $0x180;
	[sflag:s15] =	ssyncadd.s32 $0xFFFFC000  }
0xca: {  	[tilespmem:s19], [sflag:$0x2] =	stream.indirect.gather [hbm4b:s5+s17], $0x80, s10, s17, $0xb8;
	[tilespmem:$0x1CC00] =	vst v63  }
0xcb: {  	_ =	swait.ge [sflag:s20], $0x4000  }
0xcc: {  	[sflag:s20] =	ssyncset.done $0x0  }
0xcd: {  	s14 =	simm.s32 $0x900;
	[sflag:s20] =	ssyncadd.s32 $0xFFFFC000  }
0xce: {  	[spmem:s2] =	stream.indirect.scatter.add.f32 [tilespmem:s18], [sflag:$0x3], $0x80, s14, s17, $0xb8;
	[tilespmem:$0x1CC00] =	vst v63  }
0xcf: {  	_ =	swait.ge [sflag:s15], $0x4000  }
0xd0: {  	[sflag:s15] =	ssyncset.done $0x0  }
0xd1: {  	s21 =	simm.s32 $0x200;
	[sflag:s15] =	ssyncadd.s32 $0xFFFFC000  }
0xd2: {  	[tilespmem:s18], [sflag:$0x1] =	stream.indirect.gather [hbm4b:s5+s17], $0x80, s21, s17, $0xb8;
	[tilespmem:$0x1CC00] =	vst v63  }
0xd3: {  	_ =	swait.ge [sflag:s22], $0x4000  }
0xd4: {  	[sflag:s22] =	ssyncset.done $0x0  }
0xd5: {  	s23 =	simm.s32 $0x980;
	[sflag:s22] =	ssyncadd.s32 $0xFFFFC000  }
0xd6: {  	[spmem:s2] =	stream.indirect.scatter.add.f32 [tilespmem:s19], [sflag:$0x3], $0x80, s23, s17, $0xb8;
	[tilespmem:$0x1CC00] =	vst v63  }
0xd7: {  	_ =	swait.ge [sflag:s15], $0x4000  }
0xd8: {  	[sflag:s15] =	ssyncset.done $0x0  }
0xd9: {  	s24 =	simm.s32 $0x280;
	[sflag:s15] =	ssyncadd.s32 $0xFFFFC000  }
0xda: {  	[tilespmem:s19], [sflag:$0x2] =	stream.indirect.gather [hbm4b:s5+s17], $0x80, s24, s17, $0xb8;
	[tilespmem:$0x1CC00] =	vst v63  }
0xdb: {  	_ =	swait.ge [sflag:s20], $0x4000  }
0xdc: {  	[sflag:s20] =	ssyncset.done $0x0  }
0xdd: {  	s25 =	simm.s32 $0xA00;
	[sflag:s20] =	ssyncadd.s32 $0xFFFFC000  }
0xde: {  	[spmem:s2] =	stream.indirect.scatter.add.f32 [tilespmem:s18], [sflag:$0x3], $0x80, s25, s17, $0xb8;
	[tilespmem:$0x1CC00] =	vst v63  }
0xdf: {  	_ =	swait.ge [sflag:s15], $0x4000  }
0xe0: {  	[sflag:s15] =	ssyncset.done $0x0  }
0xe1: {  	s26 =	simm.s32 $0x300;
	[sflag:s15] =	ssyncadd.s32 $0xFFFFC000  }
0xe2: {  	[tilespmem:s18], [sflag:$0x1] =	stream.indirect.gather [hbm4b:s5+s17], $0x80, s26, s17, $0xb8;
	[tilespmem:$0x1CC00] =	vst v63  }
0xe3: {  	_ =	swait.ge [sflag:s22], $0x4000  }
0xe4: {  	[sflag:s22] =	ssyncset.done $0x0  }
0xe5: {  	s28 =	simm.s32 $0xA80;
	[sflag:s22] =	ssyncadd.s32 $0xFFFFC000  }
0xe6: {  	[spmem:s2] =	stream.indirect.scatter.add.f32 [tilespmem:s19], [sflag:$0x3], $0x80, s28, s17, $0xb8;
	[tilespmem:$0x1CC00] =	vst v63  }
0xe7: {  	_ =	swait.ge [sflag:s15], $0x4000  }
0xe8: {  	[sflag:s15] =	ssyncset.done $0x0  }
0xe9: {  	s29 =	simm.s32 $0x380;
	[sflag:s15] =	ssyncadd.s32 $0xFFFFC000  }
0xea: {  	[tilespmem:s19], [sflag:$0x2] =	stream.indirect.gather [hbm4b:s5+s17], $0x80, s29, s17, $0xb8;
	[tilespmem:$0x1CC00] =	vst v63  }
0xeb: {  	_ =	swait.ge [sflag:s20], $0x4000  }
0xec: {  	[sflag:s20] =	ssyncset.done $0x0  }
0xed: {  	s30 =	simm.s32 $0xB00;
	[sflag:s20] =	ssyncadd.s32 $0xFFFFC000  }
0xee: {  	[spmem:s2] =	stream.indirect.scatter.add.f32 [tilespmem:s18], [sflag:$0x3], $0x80, s30, s17, $0xb8;
	[tilespmem:$0x1CC00] =	vst v63  }
0xef: {  	_ =	swait.ge [sflag:s15], $0x4000  }
0xf0: {  	[sflag:s15] =	ssyncset.done $0x0  }
0xf1: {  	s31 =	simm.s32 $0x400;
	[sflag:s15] =	ssyncadd.s32 $0xFFFFC000  }
0xf2: {  	[tilespmem:s18], [sflag:$0x1] =	stream.indirect.gather [hbm4b:s5+s17], $0x80, s31, s17, $0xb8;
	[tilespmem:$0x1CC00] =	vst v63  }
0xf3: {  	_ =	swait.ge [sflag:s22], $0x4000  }
0xf4: {  	[sflag:s22] =	ssyncset.done $0x0  }
0xf5: {  	s0 =	simm.s32 $0xB80;
	[sflag:s22] =	ssyncadd.s32 $0xFFFFC000  }
0xf6: {  	[spmem:s2] =	stream.indirect.scatter.add.f32 [tilespmem:s19], [sflag:$0x3], $0x80, s0, s17, $0xb8;
	[tilespmem:$0x1CC00] =	vst v63  }
0xf7: {  	_ =	swait.ge [sflag:s15], $0x4000  }
0xf8: {  	[sflag:s15] =	ssyncset.done $0x0  }
0xf9: {  	s1 =	simm.s32 $0x480;
	[sflag:s15] =	ssyncadd.s32 $0xFFFFC000  }
0xfa: {  	[tilespmem:s19], [sflag:$0x2] =	stream.indirect.gather [hbm4b:s5+s17], $0x80, s1, s17, $0xb8;
	[tilespmem:$0x1CC00] =	vst v63  }
0xfb: {  	_ =	swait.ge [sflag:s20], $0x4000  }
0xfc: {  	[sflag:s20] =	ssyncset.done $0x0  }
0xfd: {  	s9 =	simm.s32 $0xC00;
	[sflag:s20] =	ssyncadd.s32 $0xFFFFC000  }
0xfe: {  	[spmem:s2] =	stream.indirect.scatter.add.f32 [tilespmem:s18], [sflag:$0x3], $0x80, s9, s17, $0xb8;
	[tilespmem:$0x1CC00] =	vst v63  }
0xff: {  	_ =	swait.ge [sflag:s15], $0x4000  }
0x100: {  	[sflag:s15] =	ssyncset.done $0x0  }
0x101: {  	s11 =	simm.s32 $0x500;
	[sflag:s15] =	ssyncadd.s32 $0xFFFFC000  }
0x102: {  	[tilespmem:s18], [sflag:$0x1] =	stream.indirect.gather [hbm4b:s5+s17], $0x80, s11, s17, $0xb8;
	[tilespmem:$0x1CC00] =	vst v63  }
0x103: {  	_ =	swait.ge [sflag:s22], $0x4000  }
0x104: {  	[sflag:s22] =	ssyncset.done $0x0  }
0x105: {  	s7 =	simm.s32 $0xC80;
	[sflag:s22] =	ssyncadd.s32 $0xFFFFC000  }
0x106: {  	[spmem:s2] =	stream.indirect.scatter.add.f32 [tilespmem:s19], [sflag:$0x3], $0x80, s7, s17, $0xb8;
	[tilespmem:$0x1CC00] =	vst v63  }
0x107: {  	_ =	swait.ge [sflag:s15], $0x4000  }
0x108: {  	[sflag:s15] =	ssyncset.done $0x0  }
0x109: {  	s8 =	simm.s32 $0x580;
	[sflag:s15] =	ssyncadd.s32 $0xFFFFC000  }
0x10a: {  	[tilespmem:s19], [sflag:$0x2] =	stream.indirect.gather [hbm4b:s5+s17], $0x80, s8, s17, $0xb8;
	[tilespmem:$0x1CC00] =	vst v63  }
0x10b: {  	_ =	swait.ge [sflag:s20], $0x4000  }
0x10c: {  	[sflag:s20] =	ssyncset.done $0x0  }
0x10d: {  	s9 =	simm.s32 $0xD00;
	[sflag:s20] =	ssyncadd.s32 $0xFFFFC000  }
0x10e: {  	[spmem:s2] =	stream.indirect.scatter.add.f32 [tilespmem:s18], [sflag:$0x3], $0x80, s9, s17, $0xb8;
	[tilespmem:$0x1CC00] =	vst v63  }
0x10f: {  	_ =	swait.ge [sflag:s15], $0x4000  }
0x110: {  	[sflag:s15] =	ssyncset.done $0x0  }
0x111: {  	s11 =	simm.s32 $0x600;
	[sflag:s15] =	ssyncadd.s32 $0xFFFFC000  }
0x112: {  	[tilespmem:s18], [sflag:$0x1] =	stream.indirect.gather [hbm4b:s5+s17], $0x80, s11, s17, $0xb8;
	[tilespmem:$0x1CC00] =	vst v63  }
0x113: {  	_ =	swait.ge [sflag:s22], $0x4000  }
0x114: {  	[sflag:s22] =	ssyncset.done $0x0  }
0x115: {  	s7 =	simm.s32 $0xD80;
	[sflag:s22] =	ssyncadd.s32 $0xFFFFC000  }
0x116: {  	[spmem:s2] =	stream.indirect.scatter.add.f32 [tilespmem:s19], [sflag:$0x3], $0x80, s7, s17, $0xb8;
	[tilespmem:$0x1CC00] =	vst v63  }
0x117: {  	_ =	swait.ge [sflag:s15], $0x4000  }
0x118: {  	[sflag:s15] =	ssyncset.done $0x0  }
0x119: {  	s8 =	simm.s32 $0x680;
	[sflag:s15] =	ssyncadd.s32 $0xFFFFC000  }
0x11a: {  	[tilespmem:s19], [sflag:$0x2] =	stream.indirect.gather [hbm4b:s5+s17], $0x80, s8, s17, $0xb8;
	[tilespmem:$0x1CC00] =	vst v63  }
0x11b: {  	_ =	swait.ge [sflag:s20], $0x4000  }
0x11c: {  	[sflag:s20] =	ssyncset.done $0x0  }
0x11d: {  	s9 =	simm.s32 $0xE00;
	[sflag:s20] =	ssyncadd.s32 $0xFFFFC000  }
0x11e: {  	[spmem:s2] =	stream.indirect.scatter.add.f32 [tilespmem:s18], [sflag:$0x3], $0x80, s9, s17, $0xb8;
	[tilespmem:$0x1CC00] =	vst v63  }
0x11f: {  	_ =	swait.ge [sflag:s15], $0x4000  }
0x120: {  	[sflag:s15] =	ssyncset.done $0x0  }
0x121: {  	s11 =	simm.s32 $0x700;
	[sflag:s15] =	ssyncadd.s32 $0xFFFFC000  }
0x122: {  	[tilespmem:s18], [sflag:$0x1] =	stream.indirect.gather [hbm4b:s5+s17], $0x80, s11, s17, $0xb8;
	[tilespmem:$0x1CC00] =	vst v63  }
0x123: {  	_ =	swait.ge [sflag:s22], $0x4000  }
0x124: {  	[sflag:s22] =	ssyncset.done $0x0  }
0x125: {  	s7 =	simm.s32 $0xE80;
	[sflag:s22] =	ssyncadd.s32 $0xFFFFC000  }
0x126: {  	[spmem:s2] =	stream.indirect.scatter.add.f32 [tilespmem:s19], [sflag:$0x3], $0x80, s7, s17, $0xb8;
	[tilespmem:$0x1CC00] =	vst v63  }
0x127: {  	_ =	swait.ge [sflag:s15], $0x4000  }
0x128: {  	[sflag:s15] =	ssyncset.done $0x0  }
0x129: {  	s8 =	simm.s32 $0x780;
	[sflag:s15] =	ssyncadd.s32 $0xFFFFC000  }
0x12a: {  	[tilespmem:s19], [sflag:$0x2] =	stream.indirect.gather [hbm4b:s5+s17], $0x80, s8, s17, $0xb8;
	[tilespmem:$0x1CC00] =	vst v63  }
0x12b: {  	_ =	swait.ge [sflag:s20], $0x4000  }
0x12c: {  	[sflag:s20] =	ssyncset.done $0x0  }
0x12d: {  	s9 =	simm.s32 $0xF00;
	[sflag:s20] =	ssyncadd.s32 $0xFFFFC000  }
0x12e: {  	[spmem:s2] =	stream.indirect.scatter.add.f32 [tilespmem:s18], [sflag:$0x3], $0x80, s9, s17, $0xb8;
	[tilespmem:$0x1CC00] =	vst v63  }
0x12f: {  	_ =	swait.ge [sflag:s15], $0x4000  }
0x130: {  	[sflag:s15] =	ssyncset.done $0x0  }
0x131: {  	[sflag:s15] =	ssyncadd.s32 $0xFFFFC000  }
0x132: {  	_ =	swait.ge [sflag:s22], $0x4000  }
0x133: {  	[sflag:s22] =	ssyncset.done $0x0  }
0x134: {  	s11 =	simm.s32 $0xF80;
	[sflag:s22] =	ssyncadd.s32 $0xFFFFC000  }
0x135: {  	[spmem:s2] =	stream.indirect.scatter.add.f32 [tilespmem:s19], [sflag:$0x3], $0x80, s11, s17, $0xb8;
	[tilespmem:$0x1CC00] =	vst v63  }
0x136: {  	_ =	swait.ge [sflag:s15], $0x4000  }
0x137: {  	s6 =	simm.s32 $0x100;
	s9 =	simm.s32 $0x200;
	[sflag:s15] =	ssyncset.done $0x0  }
.LBB2_6:
0x138: {  	s8 =	sadd.s32 s6, s13  }
0x139: {  	[sflag:s15] =	ssyncadd.s32 $0xFFFFC000;
	s11 =	smov.u32 s9;
	s7 =	sadd.s32 $0x100, s9  }
0x13a: {  	[tilespmem:s3], [sflag:$0x3] =	stream.linear.gather [hbm4b:s8+s3], $0x800, $0x38;
	[tilespmem:$0x1CC00] =	vst v63  }
0x13b: {  	p1 =	sne.s32 s9, $0x400;
	_ =	swait.ge [sflag:s15], $0x800  }
0x13c: {  	s8 =	sadd.s32 s6, s12;
	[sflag:s15] =	ssyncset.done $0x0  }
0x13d: {  	s6 =	smov.u32 s11;
	s11 =	simm.s32 $0x880;
	[sflag:s15] =	ssyncadd.s32 $0xFFFFF800  }
0x13e: {  	[tilespmem:s16], [sflag:$0x3] =	stream.linear.gather [hbm4b:s8+s3], $0x800, $0x38;
	[tilespmem:$0x1CC00] =	vst v63  }
0x13f: {  	s8 =	simm.s32 $0x100  }
0x140: {  	_ =	swait.ge [sflag:s15], $0x800  }
0x141: {  	[sflag:s15] =	ssyncset.done $0x0  }
0x142: {  	[sflag:s15] =	ssyncadd.s32 $0xFFFFF800  }
0x143: {  	[tilespmem:s18], [sflag:$0x1] =	stream.indirect.gather [hbm4b:s5+s17], $0x80, s3, s17, $0xb8;
	[tilespmem:$0x1CC00] =	vst v63  }
0x144: {  	_ = 	snop  }
0x145: {  	[tilespmem:s19], [sflag:$0x2] =	stream.indirect.gather [hbm4b:s5+s17], $0x80, s17, s17, $0xb8;
	[tilespmem:$0x1CC00] =	vst v63  }
0x146: {  	_ =	swait.ge [sflag:s20], $0x4000  }
0x147: {  	[sflag:s20] =	ssyncset.done $0x0  }
0x148: {  	[sflag:s20] =	ssyncadd.s32 $0xFFFFC000  }
0x149: {  	[spmem:s2] =	stream.indirect.scatter.add.f32 [tilespmem:s18], [sflag:$0x3], $0x80, s16, s17, $0xb8;
	[tilespmem:$0x1CC00] =	vst v63  }
0x14a: {  	_ =	swait.ge [sflag:s15], $0x4000  }
0x14b: {  	[sflag:s15] =	ssyncset.done $0x0  }
0x14c: {  	[sflag:s15] =	ssyncadd.s32 $0xFFFFC000  }
0x14d: {  	[tilespmem:s18], [sflag:$0x1] =	stream.indirect.gather [hbm4b:s5+s17], $0x80, s8, s17, $0xb8;
	[tilespmem:$0x1CC00] =	vst v63  }
0x14e: {  	_ =	swait.ge [sflag:s22], $0x4000  }
0x14f: {  	[sflag:s22] =	ssyncset.done $0x0  }
0x150: {  	[sflag:s22] =	ssyncadd.s32 $0xFFFFC000  }
0x151: {  	[spmem:s2] =	stream.indirect.scatter.add.f32 [tilespmem:s19], [sflag:$0x3], $0x80, s11, s17, $0xb8;
	[tilespmem:$0x1CC00] =	vst v63  }
0x152: {  	_ =	swait.ge [sflag:s15], $0x4000  }
0x153: {  	[sflag:s15] =	ssyncset.done $0x0  }
0x154: {  	[sflag:s15] =	ssyncadd.s32 $0xFFFFC000  }
0x155: {  	[tilespmem:s19], [sflag:$0x2] =	stream.indirect.gather [hbm4b:s5+s17], $0x80, s10, s17, $0xb8;
	[tilespmem:$0x1CC00] =	vst v63  }
0x156: {  	_ =	swait.ge [sflag:s20], $0x4000  }
0x157: {  	[sflag:s20] =	ssyncset.done $0x0  }
0x158: {  	[sflag:s20] =	ssyncadd.s32 $0xFFFFC000  }
0x159: {  	[spmem:s2] =	stream.indirect.scatter.add.f32 [tilespmem:s18], [sflag:$0x3], $0x80, s14, s17, $0xb8;
	[tilespmem:$0x1CC00] =	vst v63  }
0x15a: {  	_ =	swait.ge [sflag:s15], $0x4000  }
0x15b: {  	[sflag:s15] =	ssyncset.done $0x0  }
0x15c: {  	[sflag:s15] =	ssyncadd.s32 $0xFFFFC000  }
0x15d: {  	[tilespmem:s18], [sflag:$0x1] =	stream.indirect.gather [hbm4b:s5+s17], $0x80, s21, s17, $0xb8;
	[tilespmem:$0x1CC00] =	vst v63  }
0x15e: {  	_ =	swait.ge [sflag:s22], $0x4000  }
0x15f: {  	[sflag:s22] =	ssyncset.done $0x0  }
0x160: {  	[sflag:s22] =	ssyncadd.s32 $0xFFFFC000  }
0x161: {  	[spmem:s2] =	stream.indirect.scatter.add.f32 [tilespmem:s19], [sflag:$0x3], $0x80, s23, s17, $0xb8;
	[tilespmem:$0x1CC00] =	vst v63  }
0x162: {  	_ =	swait.ge [sflag:s15], $0x4000  }
0x163: {  	[sflag:s15] =	ssyncset.done $0x0  }
0x164: {  	[sflag:s15] =	ssyncadd.s32 $0xFFFFC000  }
0x165: {  	[tilespmem:s19], [sflag:$0x2] =	stream.indirect.gather [hbm4b:s5+s17], $0x80, s24, s17, $0xb8;
	[tilespmem:$0x1CC00] =	vst v63  }
0x166: {  	_ =	swait.ge [sflag:s20], $0x4000  }
0x167: {  	[sflag:s20] =	ssyncset.done $0x0  }
0x168: {  	[sflag:s20] =	ssyncadd.s32 $0xFFFFC000  }
0x169: {  	[spmem:s2] =	stream.indirect.scatter.add.f32 [tilespmem:s18], [sflag:$0x3], $0x80, s25, s17, $0xb8;
	[tilespmem:$0x1CC00] =	vst v63  }
0x16a: {  	_ =	swait.ge [sflag:s15], $0x4000  }
0x16b: {  	[sflag:s15] =	ssyncset.done $0x0  }
0x16c: {  	[sflag:s15] =	ssyncadd.s32 $0xFFFFC000  }
0x16d: {  	[tilespmem:s18], [sflag:$0x1] =	stream.indirect.gather [hbm4b:s5+s17], $0x80, s26, s17, $0xb8;
	[tilespmem:$0x1CC00] =	vst v63  }
0x16e: {  	_ =	swait.ge [sflag:s22], $0x4000  }
0x16f: {  	[sflag:s22] =	ssyncset.done $0x0  }
0x170: {  	[sflag:s22] =	ssyncadd.s32 $0xFFFFC000  }
0x171: {  	[spmem:s2] =	stream.indirect.scatter.add.f32 [tilespmem:s19], [sflag:$0x3], $0x80, s28, s17, $0xb8;
	[tilespmem:$0x1CC00] =	vst v63  }
0x172: {  	_ =	swait.ge [sflag:s15], $0x4000  }
0x173: {  	[sflag:s15] =	ssyncset.done $0x0  }
0x174: {  	[sflag:s15] =	ssyncadd.s32 $0xFFFFC000  }
0x175: {  	[tilespmem:s19], [sflag:$0x2] =	stream.indirect.gather [hbm4b:s5+s17], $0x80, s29, s17, $0xb8;
	[tilespmem:$0x1CC00] =	vst v63  }
0x176: {  	_ =	swait.ge [sflag:s20], $0x4000  }
0x177: {  	[sflag:s20] =	ssyncset.done $0x0  }
0x178: {  	[sflag:s20] =	ssyncadd.s32 $0xFFFFC000  }
0x179: {  	[spmem:s2] =	stream.indirect.scatter.add.f32 [tilespmem:s18], [sflag:$0x3], $0x80, s30, s17, $0xb8;
	[tilespmem:$0x1CC00] =	vst v63  }
0x17a: {  	_ =	swait.ge [sflag:s15], $0x4000  }
0x17b: {  	[sflag:s15] =	ssyncset.done $0x0  }
0x17c: {  	[sflag:s15] =	ssyncadd.s32 $0xFFFFC000  }
0x17d: {  	[tilespmem:s18], [sflag:$0x1] =	stream.indirect.gather [hbm4b:s5+s17], $0x80, s31, s17, $0xb8;
	[tilespmem:$0x1CC00] =	vst v63  }
0x17e: {  	_ =	swait.ge [sflag:s22], $0x4000  }
0x17f: {  	[sflag:s22] =	ssyncset.done $0x0  }
0x180: {  	[sflag:s22] =	ssyncadd.s32 $0xFFFFC000  }
0x181: {  	[spmem:s2] =	stream.indirect.scatter.add.f32 [tilespmem:s19], [sflag:$0x3], $0x80, s0, s17, $0xb8;
	[tilespmem:$0x1CC00] =	vst v63  }
0x182: {  	_ =	swait.ge [sflag:s15], $0x4000  }
0x183: {  	[sflag:s15] =	ssyncset.done $0x0  }
0x184: {  	[sflag:s15] =	ssyncadd.s32 $0xFFFFC000  }
0x185: {  	[tilespmem:s19], [sflag:$0x2] =	stream.indirect.gather [hbm4b:s5+s17], $0x80, s1, s17, $0xb8;
	[tilespmem:$0x1CC00] =	vst v63  }
0x186: {  	_ =	swait.ge [sflag:s20], $0x4000  }
0x187: {  	[sflag:s20] =	ssyncset.done $0x0  }
0x188: {  	s9 =	simm.s32 $0xC00;
	[sflag:s20] =	ssyncadd.s32 $0xFFFFC000  }
0x189: {  	[spmem:s2] =	stream.indirect.scatter.add.f32 [tilespmem:s18], [sflag:$0x3], $0x80, s9, s17, $0xb8;
	[tilespmem:$0x1CC00] =	vst v63  }
0x18a: {  	_ =	swait.ge [sflag:s15], $0x4000  }
0x18b: {  	[sflag:s15] =	ssyncset.done $0x0  }
0x18c: {  	s9 =	simm.s32 $0x500;
	[sflag:s15] =	ssyncadd.s32 $0xFFFFC000  }
0x18d: {  	[tilespmem:s18], [sflag:$0x1] =	stream.indirect.gather [hbm4b:s5+s17], $0x80, s9, s17, $0xb8;
	[tilespmem:$0x1CC00] =	vst v63  }
0x18e: {  	_ =	swait.ge [sflag:s22], $0x4000  }
0x18f: {  	[sflag:s22] =	ssyncset.done $0x0  }
0x190: {  	s9 =	simm.s32 $0xC80;
	[sflag:s22] =	ssyncadd.s32 $0xFFFFC000  }
0x191: {  	[spmem:s2] =	stream.indirect.scatter.add.f32 [tilespmem:s19], [sflag:$0x3], $0x80, s9, s17, $0xb8;
	[tilespmem:$0x1CC00] =	vst v63  }
0x192: {  	_ =	swait.ge [sflag:s15], $0x4000  }
0x193: {  	[sflag:s15] =	ssyncset.done $0x0  }
0x194: {  	s9 =	simm.s32 $0x580;
	[sflag:s15] =	ssyncadd.s32 $0xFFFFC000  }
0x195: {  	[tilespmem:s19], [sflag:$0x2] =	stream.indirect.gather [hbm4b:s5+s17], $0x80, s9, s17, $0xb8;
	[tilespmem:$0x1CC00] =	vst v63  }
0x196: {  	_ =	swait.ge [sflag:s20], $0x4000  }
0x197: {  	[sflag:s20] =	ssyncset.done $0x0  }
0x198: {  	s9 =	simm.s32 $0xD00;
	[sflag:s20] =	ssyncadd.s32 $0xFFFFC000  }
0x199: {  	[spmem:s2] =	stream.indirect.scatter.add.f32 [tilespmem:s18], [sflag:$0x3], $0x80, s9, s17, $0xb8;
	[tilespmem:$0x1CC00] =	vst v63  }
0x19a: {  	_ =	swait.ge [sflag:s15], $0x4000  }
0x19b: {  	[sflag:s15] =	ssyncset.done $0x0  }
0x19c: {  	s9 =	simm.s32 $0x600;
	[sflag:s15] =	ssyncadd.s32 $0xFFFFC000  }
0x19d: {  	[tilespmem:s18], [sflag:$0x1] =	stream.indirect.gather [hbm4b:s5+s17], $0x80, s9, s17, $0xb8;
	[tilespmem:$0x1CC00] =	vst v63  }
0x19e: {  	_ =	swait.ge [sflag:s22], $0x4000  }
0x19f: {  	[sflag:s22] =	ssyncset.done $0x0  }
0x1a0: {  	s9 =	simm.s32 $0xD80;
	[sflag:s22] =	ssyncadd.s32 $0xFFFFC000  }
0x1a1: {  	[spmem:s2] =	stream.indirect.scatter.add.f32 [tilespmem:s19], [sflag:$0x3], $0x80, s9, s17, $0xb8;
	[tilespmem:$0x1CC00] =	vst v63  }
0x1a2: {  	_ =	swait.ge [sflag:s15], $0x4000  }
0x1a3: {  	[sflag:s15] =	ssyncset.done $0x0  }
0x1a4: {  	s9 =	simm.s32 $0x680;
	[sflag:s15] =	ssyncadd.s32 $0xFFFFC000  }
0x1a5: {  	[tilespmem:s19], [sflag:$0x2] =	stream.indirect.gather [hbm4b:s5+s17], $0x80, s9, s17, $0xb8;
	[tilespmem:$0x1CC00] =	vst v63  }
0x1a6: {  	_ =	swait.ge [sflag:s20], $0x4000  }
0x1a7: {  	[sflag:s20] =	ssyncset.done $0x0  }
0x1a8: {  	s9 =	simm.s32 $0xE00;
	[sflag:s20] =	ssyncadd.s32 $0xFFFFC000  }
0x1a9: {  	[spmem:s2] =	stream.indirect.scatter.add.f32 [tilespmem:s18], [sflag:$0x3], $0x80, s9, s17, $0xb8;
	[tilespmem:$0x1CC00] =	vst v63  }
0x1aa: {  	_ =	swait.ge [sflag:s15], $0x4000  }
0x1ab: {  	[sflag:s15] =	ssyncset.done $0x0  }
0x1ac: {  	s9 =	simm.s32 $0x700;
	[sflag:s15] =	ssyncadd.s32 $0xFFFFC000  }
0x1ad: {  	[tilespmem:s18], [sflag:$0x1] =	stream.indirect.gather [hbm4b:s5+s17], $0x80, s9, s17, $0xb8;
	[tilespmem:$0x1CC00] =	vst v63  }
0x1ae: {  	_ =	swait.ge [sflag:s22], $0x4000  }
0x1af: {  	[sflag:s22] =	ssyncset.done $0x0  }
0x1b0: {  	s9 =	simm.s32 $0xE80;
	[sflag:s22] =	ssyncadd.s32 $0xFFFFC000  }
0x1b1: {  	[spmem:s2] =	stream.indirect.scatter.add.f32 [tilespmem:s19], [sflag:$0x3], $0x80, s9, s17, $0xb8;
	[tilespmem:$0x1CC00] =	vst v63  }
0x1b2: {  	_ =	swait.ge [sflag:s15], $0x4000  }
0x1b3: {  	[sflag:s15] =	ssyncset.done $0x0  }
0x1b4: {  	s9 =	simm.s32 $0x780;
	[sflag:s15] =	ssyncadd.s32 $0xFFFFC000  }
0x1b5: {  	[tilespmem:s19], [sflag:$0x2] =	stream.indirect.gather [hbm4b:s5+s17], $0x80, s9, s17, $0xb8;
	[tilespmem:$0x1CC00] =	vst v63  }
0x1b6: {  	_ =	swait.ge [sflag:s20], $0x4000  }
0x1b7: {  	[sflag:s20] =	ssyncset.done $0x0  }
0x1b8: {  	s9 =	simm.s32 $0xF00;
	[sflag:s20] =	ssyncadd.s32 $0xFFFFC000  }
0x1b9: {  	[spmem:s2] =	stream.indirect.scatter.add.f32 [tilespmem:s18], [sflag:$0x3], $0x80, s9, s17, $0xb8;
	[tilespmem:$0x1CC00] =	vst v63  }
0x1ba: {  	_ =	swait.ge [sflag:s15], $0x4000  }
0x1bb: {  	[sflag:s15] =	ssyncset.done $0x0  }
0x1bc: {  	[sflag:s15] =	ssyncadd.s32 $0xFFFFC000  }
0x1bd: {  	_ =	swait.ge [sflag:s22], $0x4000  }
.Ltmp3:
0x1be: {  	[sflag:s22] =	ssyncset.done $0x0;
	(pc) =	sbr.rel @p1 .LBB2_6-.Ltmp3, $4  }
0x1bf: {  	s9 =	simm.s32 $0xF80;
	[sflag:s22] =	ssyncadd.s32 $0xFFFFC000  }
0x1c0: {  	[spmem:s2] =	stream.indirect.scatter.add.f32 [tilespmem:s19], [sflag:$0x3], $0x80, s9, s17, $0xb8;
	[tilespmem:$0x1CC00] =	vst v63  }
0x1c1: {  	_ =	swait.ge [sflag:s15], $0x4000  }
0x1c2: {  	s9 =	smov.u32 s7;
	[sflag:s15] =	ssyncset.done $0x0  }
.Ltmp4:
0x1c3: {  	_ = 	snop;
	(pc) =	sbr.rel .LBB2_7-.Ltmp4, $1  }
0x1c4: {  	_ =	sdelay $0x3  }
.LBB2_2:
0x1c5: {  	[tilespmem:s3], [sflag:$0x3] =	stream.linear.gather [hbm4b:s6+s3], $0x800, $0x38;
	[tilespmem:$0x1CC00] =	vst v63  }
0x1c6: {  	_ =	swait.ge [sflag:s15], $0x800  }
0x1c7: {  	[sflag:s15] =	ssyncset.done $0x0  }
0x1c8: {  	s7 =	sadd.s32 $0x0, s12;
	[sflag:s15] =	ssyncadd.s32 $0xFFFFF800  }
0x1c9: {  	[tilespmem:s16], [sflag:$0x3] =	stream.linear.gather [hbm4b:s7+s3], $0x800, $0x38;
	[tilespmem:$0x1CC00] =	vst v63  }
0x1ca: {  	_ =	swait.ge [sflag:s15], $0x800  }
0x1cb: {  	[sflag:s15] =	ssyncset.done $0x0  }
0x1cc: {  	[sflag:s15] =	ssyncadd.s32 $0xFFFFF800  }
0x1cd: {  	[tilespmem:s18], [sflag:$0x1] =	stream.indirect.gather [hbm4b:s4+s17], $0x80, s3, s17, $0xb8;
	[tilespmem:$0x1CC00] =	vst v63  }
0x1ce: {  	_ = 	snop  }
0x1cf: {  	[tilespmem:s19], [sflag:$0x2] =	stream.indirect.gather [hbm4b:s4+s17], $0x80, s17, s17, $0xb8;
	[tilespmem:$0x1CC00] =	vst v63  }
0x1d0: {  	_ =	swait.ge [sflag:s20], $0x4000  }
0x1d1: {  	[sflag:s20] =	ssyncset.done $0x0  }
0x1d2: {  	[sflag:s20] =	ssyncadd.s32 $0xFFFFC000  }
0x1d3: {  	[spmem:s2] =	stream.indirect.scatter.add.f32 [tilespmem:s18], [sflag:$0x3], $0x80, s16, s17, $0xb8;
	[tilespmem:$0x1CC00] =	vst v63  }
0x1d4: {  	_ =	swait.ge [sflag:s15], $0x4000  }
0x1d5: {  	[sflag:s15] =	ssyncset.done $0x0  }
0x1d6: {  	[sflag:s15] =	ssyncadd.s32 $0xFFFFC000  }
0x1d7: {  	[tilespmem:s18], [sflag:$0x1] =	stream.indirect.gather [hbm4b:s4+s17], $0x80, s8, s17, $0xb8;
	[tilespmem:$0x1CC00] =	vst v63  }
0x1d8: {  	_ =	swait.ge [sflag:s22], $0x4000  }
0x1d9: {  	[sflag:s22] =	ssyncset.done $0x0  }
0x1da: {  	[sflag:s22] =	ssyncadd.s32 $0xFFFFC000  }
0x1db: {  	[spmem:s2] =	stream.indirect.scatter.add.f32 [tilespmem:s19], [sflag:$0x3], $0x80, s11, s17, $0xb8;
	[tilespmem:$0x1CC00] =	vst v63  }
0x1dc: {  	_ =	swait.ge [sflag:s15], $0x4000  }
0x1dd: {  	[sflag:s15] =	ssyncset.done $0x0  }
0x1de: {  	s10 =	simm.s32 $0x180;
	[sflag:s15] =	ssyncadd.s32 $0xFFFFC000  }
0x1df: {  	[tilespmem:s19], [sflag:$0x2] =	stream.indirect.gather [hbm4b:s4+s17], $0x80, s10, s17, $0xb8;
	[tilespmem:$0x1CC00] =	vst v63  }
0x1e0: {  	_ =	swait.ge [sflag:s20], $0x4000  }
0x1e1: {  	[sflag:s20] =	ssyncset.done $0x0  }
0x1e2: {  	s14 =	simm.s32 $0x900;
	[sflag:s20] =	ssyncadd.s32 $0xFFFFC000  }
0x1e3: {  	[spmem:s2] =	stream.indirect.scatter.add.f32 [tilespmem:s18], [sflag:$0x3], $0x80, s14, s17, $0xb8;
	[tilespmem:$0x1CC00] =	vst v63  }
0x1e4: {  	_ =	swait.ge [sflag:s15], $0x4000  }
0x1e5: {  	[sflag:s15] =	ssyncset.done $0x0  }
0x1e6: {  	s21 =	simm.s32 $0x200;
	[sflag:s15] =	ssyncadd.s32 $0xFFFFC000  }
0x1e7: {  	[tilespmem:s18], [sflag:$0x1] =	stream.indirect.gather [hbm4b:s4+s17], $0x80, s21, s17, $0xb8;
	[tilespmem:$0x1CC00] =	vst v63  }
0x1e8: {  	_ =	swait.ge [sflag:s22], $0x4000  }
0x1e9: {  	[sflag:s22] =	ssyncset.done $0x0  }
0x1ea: {  	s23 =	simm.s32 $0x980;
	[sflag:s22] =	ssyncadd.s32 $0xFFFFC000  }
0x1eb: {  	[spmem:s2] =	stream.indirect.scatter.add.f32 [tilespmem:s19], [sflag:$0x3], $0x80, s23, s17, $0xb8;
	[tilespmem:$0x1CC00] =	vst v63  }
0x1ec: {  	_ =	swait.ge [sflag:s15], $0x4000  }
0x1ed: {  	[sflag:s15] =	ssyncset.done $0x0  }
0x1ee: {  	s24 =	simm.s32 $0x280;
	[sflag:s15] =	ssyncadd.s32 $0xFFFFC000  }
0x1ef: {  	[tilespmem:s19], [sflag:$0x2] =	stream.indirect.gather [hbm4b:s4+s17], $0x80, s24, s17, $0xb8;
	[tilespmem:$0x1CC00] =	vst v63  }
0x1f0: {  	_ =	swait.ge [sflag:s20], $0x4000  }
0x1f1: {  	[sflag:s20] =	ssyncset.done $0x0  }
0x1f2: {  	s25 =	simm.s32 $0xA00;
	[sflag:s20] =	ssyncadd.s32 $0xFFFFC000  }
0x1f3: {  	[spmem:s2] =	stream.indirect.scatter.add.f32 [tilespmem:s18], [sflag:$0x3], $0x80, s25, s17, $0xb8;
	[tilespmem:$0x1CC00] =	vst v63  }
0x1f4: {  	_ =	swait.ge [sflag:s15], $0x4000  }
0x1f5: {  	[sflag:s15] =	ssyncset.done $0x0  }
0x1f6: {  	s26 =	simm.s32 $0x300;
	[sflag:s15] =	ssyncadd.s32 $0xFFFFC000  }
0x1f7: {  	[tilespmem:s18], [sflag:$0x1] =	stream.indirect.gather [hbm4b:s4+s17], $0x80, s26, s17, $0xb8;
	[tilespmem:$0x1CC00] =	vst v63  }
0x1f8: {  	_ =	swait.ge [sflag:s22], $0x4000  }
0x1f9: {  	[sflag:s22] =	ssyncset.done $0x0  }
0x1fa: {  	s28 =	simm.s32 $0xA80;
	[sflag:s22] =	ssyncadd.s32 $0xFFFFC000  }
0x1fb: {  	[spmem:s2] =	stream.indirect.scatter.add.f32 [tilespmem:s19], [sflag:$0x3], $0x80, s28, s17, $0xb8;
	[tilespmem:$0x1CC00] =	vst v63  }
0x1fc: {  	_ =	swait.ge [sflag:s15], $0x4000  }
0x1fd: {  	[sflag:s15] =	ssyncset.done $0x0  }
0x1fe: {  	s29 =	simm.s32 $0x380;
	[sflag:s15] =	ssyncadd.s32 $0xFFFFC000  }
0x1ff: {  	[tilespmem:s19], [sflag:$0x2] =	stream.indirect.gather [hbm4b:s4+s17], $0x80, s29, s17, $0xb8;
	[tilespmem:$0x1CC00] =	vst v63  }
0x200: {  	_ =	swait.ge [sflag:s20], $0x4000  }
0x201: {  	[sflag:s20] =	ssyncset.done $0x0  }
0x202: {  	s30 =	simm.s32 $0xB00;
	[sflag:s20] =	ssyncadd.s32 $0xFFFFC000  }
0x203: {  	[spmem:s2] =	stream.indirect.scatter.add.f32 [tilespmem:s18], [sflag:$0x3], $0x80, s30, s17, $0xb8;
	[tilespmem:$0x1CC00] =	vst v63  }
0x204: {  	_ =	swait.ge [sflag:s15], $0x4000  }
0x205: {  	[sflag:s15] =	ssyncset.done $0x0  }
0x206: {  	s31 =	simm.s32 $0x400;
	[sflag:s15] =	ssyncadd.s32 $0xFFFFC000  }
0x207: {  	[tilespmem:s18], [sflag:$0x1] =	stream.indirect.gather [hbm4b:s4+s17], $0x80, s31, s17, $0xb8;
	[tilespmem:$0x1CC00] =	vst v63  }
0x208: {  	_ =	swait.ge [sflag:s22], $0x4000  }
0x209: {  	[sflag:s22] =	ssyncset.done $0x0  }
0x20a: {  	s0 =	simm.s32 $0xB80;
	[sflag:s22] =	ssyncadd.s32 $0xFFFFC000  }
0x20b: {  	[spmem:s2] =	stream.indirect.scatter.add.f32 [tilespmem:s19], [sflag:$0x3], $0x80, s0, s17, $0xb8;
	[tilespmem:$0x1CC00] =	vst v63  }
0x20c: {  	_ =	swait.ge [sflag:s15], $0x4000  }
0x20d: {  	[sflag:s15] =	ssyncset.done $0x0  }
0x20e: {  	s1 =	simm.s32 $0x480;
	[sflag:s15] =	ssyncadd.s32 $0xFFFFC000  }
0x20f: {  	[tilespmem:s19], [sflag:$0x2] =	stream.indirect.gather [hbm4b:s4+s17], $0x80, s1, s17, $0xb8;
	[tilespmem:$0x1CC00] =	vst v63  }
0x210: {  	_ =	swait.ge [sflag:s20], $0x4000  }
0x211: {  	[sflag:s20] =	ssyncset.done $0x0  }
0x212: {  	s9 =	simm.s32 $0xC00;
	[sflag:s20] =	ssyncadd.s32 $0xFFFFC000  }
0x213: {  	[spmem:s2] =	stream.indirect.scatter.add.f32 [tilespmem:s18], [sflag:$0x3], $0x80, s9, s17, $0xb8;
	[tilespmem:$0x1CC00] =	vst v63  }
0x214: {  	_ =	swait.ge [sflag:s15], $0x4000  }
0x215: {  	[sflag:s15] =	ssyncset.done $0x0  }
0x216: {  	s11 =	simm.s32 $0x500;
	[sflag:s15] =	ssyncadd.s32 $0xFFFFC000  }
0x217: {  	[tilespmem:s18], [sflag:$0x1] =	stream.indirect.gather [hbm4b:s4+s17], $0x80, s11, s17, $0xb8;
	[tilespmem:$0x1CC00] =	vst v63  }
0x218: {  	_ =	swait.ge [sflag:s22], $0x4000  }
0x219: {  	[sflag:s22] =	ssyncset.done $0x0  }
0x21a: {  	s7 =	simm.s32 $0xC80;
	[sflag:s22] =	ssyncadd.s32 $0xFFFFC000  }
0x21b: {  	[spmem:s2] =	stream.indirect.scatter.add.f32 [tilespmem:s19], [sflag:$0x3], $0x80, s7, s17, $0xb8;
	[tilespmem:$0x1CC00] =	vst v63  }
0x21c: {  	_ =	swait.ge [sflag:s15], $0x4000  }
0x21d: {  	[sflag:s15] =	ssyncset.done $0x0  }
0x21e: {  	s8 =	simm.s32 $0x580;
	[sflag:s15] =	ssyncadd.s32 $0xFFFFC000  }
0x21f: {  	[tilespmem:s19], [sflag:$0x2] =	stream.indirect.gather [hbm4b:s4+s17], $0x80, s8, s17, $0xb8;
	[tilespmem:$0x1CC00] =	vst v63  }
0x220: {  	_ =	swait.ge [sflag:s20], $0x4000  }
0x221: {  	[sflag:s20] =	ssyncset.done $0x0  }
0x222: {  	s9 =	simm.s32 $0xD00;
	[sflag:s20] =	ssyncadd.s32 $0xFFFFC000  }
0x223: {  	[spmem:s2] =	stream.indirect.scatter.add.f32 [tilespmem:s18], [sflag:$0x3], $0x80, s9, s17, $0xb8;
	[tilespmem:$0x1CC00] =	vst v63  }
0x224: {  	_ =	swait.ge [sflag:s15], $0x4000  }
0x225: {  	[sflag:s15] =	ssyncset.done $0x0  }
0x226: {  	s11 =	simm.s32 $0x600;
	[sflag:s15] =	ssyncadd.s32 $0xFFFFC000  }
0x227: {  	[tilespmem:s18], [sflag:$0x1] =	stream.indirect.gather [hbm4b:s4+s17], $0x80, s11, s17, $0xb8;
	[tilespmem:$0x1CC00] =	vst v63  }
0x228: {  	_ =	swait.ge [sflag:s22], $0x4000  }
0x229: {  	[sflag:s22] =	ssyncset.done $0x0  }
0x22a: {  	s7 =	simm.s32 $0xD80;
	[sflag:s22] =	ssyncadd.s32 $0xFFFFC000  }
0x22b: {  	[spmem:s2] =	stream.indirect.scatter.add.f32 [tilespmem:s19], [sflag:$0x3], $0x80, s7, s17, $0xb8;
	[tilespmem:$0x1CC00] =	vst v63  }
0x22c: {  	_ =	swait.ge [sflag:s15], $0x4000  }
0x22d: {  	[sflag:s15] =	ssyncset.done $0x0  }
0x22e: {  	s8 =	simm.s32 $0x680;
	[sflag:s15] =	ssyncadd.s32 $0xFFFFC000  }
0x22f: {  	[tilespmem:s19], [sflag:$0x2] =	stream.indirect.gather [hbm4b:s4+s17], $0x80, s8, s17, $0xb8;
	[tilespmem:$0x1CC00] =	vst v63  }
0x230: {  	_ =	swait.ge [sflag:s20], $0x4000  }
0x231: {  	[sflag:s20] =	ssyncset.done $0x0  }
0x232: {  	s9 =	simm.s32 $0xE00;
	[sflag:s20] =	ssyncadd.s32 $0xFFFFC000  }
0x233: {  	[spmem:s2] =	stream.indirect.scatter.add.f32 [tilespmem:s18], [sflag:$0x3], $0x80, s9, s17, $0xb8;
	[tilespmem:$0x1CC00] =	vst v63  }
0x234: {  	_ =	swait.ge [sflag:s15], $0x4000  }
0x235: {  	[sflag:s15] =	ssyncset.done $0x0  }
0x236: {  	s11 =	simm.s32 $0x700;
	[sflag:s15] =	ssyncadd.s32 $0xFFFFC000  }
0x237: {  	[tilespmem:s18], [sflag:$0x1] =	stream.indirect.gather [hbm4b:s4+s17], $0x80, s11, s17, $0xb8;
	[tilespmem:$0x1CC00] =	vst v63  }
0x238: {  	_ =	swait.ge [sflag:s22], $0x4000  }
0x239: {  	[sflag:s22] =	ssyncset.done $0x0  }
0x23a: {  	s7 =	simm.s32 $0xE80;
	[sflag:s22] =	ssyncadd.s32 $0xFFFFC000  }
0x23b: {  	[spmem:s2] =	stream.indirect.scatter.add.f32 [tilespmem:s19], [sflag:$0x3], $0x80, s7, s17, $0xb8;
	[tilespmem:$0x1CC00] =	vst v63  }
0x23c: {  	_ =	swait.ge [sflag:s15], $0x4000  }
0x23d: {  	[sflag:s15] =	ssyncset.done $0x0  }
0x23e: {  	s8 =	simm.s32 $0x780;
	[sflag:s15] =	ssyncadd.s32 $0xFFFFC000  }
0x23f: {  	[tilespmem:s19], [sflag:$0x2] =	stream.indirect.gather [hbm4b:s4+s17], $0x80, s8, s17, $0xb8;
	[tilespmem:$0x1CC00] =	vst v63  }
0x240: {  	_ =	swait.ge [sflag:s20], $0x4000  }
0x241: {  	[sflag:s20] =	ssyncset.done $0x0  }
0x242: {  	s9 =	simm.s32 $0xF00;
	[sflag:s20] =	ssyncadd.s32 $0xFFFFC000  }
0x243: {  	[spmem:s2] =	stream.indirect.scatter.add.f32 [tilespmem:s18], [sflag:$0x3], $0x80, s9, s17, $0xb8;
	[tilespmem:$0x1CC00] =	vst v63  }
0x244: {  	_ =	swait.ge [sflag:s15], $0x4000  }
0x245: {  	[sflag:s15] =	ssyncset.done $0x0  }
0x246: {  	[sflag:s15] =	ssyncadd.s32 $0xFFFFC000  }
0x247: {  	_ =	swait.ge [sflag:s22], $0x4000  }
0x248: {  	[sflag:s22] =	ssyncset.done $0x0  }
0x249: {  	s11 =	simm.s32 $0xF80;
	[sflag:s22] =	ssyncadd.s32 $0xFFFFC000  }
0x24a: {  	[spmem:s2] =	stream.indirect.scatter.add.f32 [tilespmem:s19], [sflag:$0x3], $0x80, s11, s17, $0xb8;
	[tilespmem:$0x1CC00] =	vst v63  }
0x24b: {  	_ =	swait.ge [sflag:s15], $0x4000  }
0x24c: {  	s6 =	simm.s32 $0x100;
	s7 =	simm.s32 $0x200;
	[sflag:s15] =	ssyncset.done $0x0  }
.LBB2_3:
0x24d: {  	s11 =	sadd.s32 s6, s13  }
0x24e: {  	[sflag:s15] =	ssyncadd.s32 $0xFFFFC000;
	s8 =	smov.u32 s7;
	s9 =	sadd.s32 $0x100, s7  }
0x24f: {  	[tilespmem:s3], [sflag:$0x3] =	stream.linear.gather [hbm4b:s11+s3], $0x800, $0x38;
	[tilespmem:$0x1CC00] =	vst v63  }
0x250: {  	s11 =	simm.s32 $0x880  }
0x251: {  	p1 =	seq.s32 s7, $0x400;
	_ =	swait.ge [sflag:s15], $0x800  }
0x252: {  	s7 =	sadd.s32 s6, s12;
	[sflag:s15] =	ssyncset.done $0x0  }
0x253: {  	s6 =	smov.u32 s8;
	s8 =	simm.s32 $0x100;
	[sflag:s15] =	ssyncadd.s32 $0xFFFFF800  }
0x254: {  	[tilespmem:s16], [sflag:$0x3] =	stream.linear.gather [hbm4b:s7+s3], $0x800, $0x38;
	[tilespmem:$0x1CC00] =	vst v63  }
0x255: {  	_ =	swait.ge [sflag:s15], $0x800  }
0x256: {  	[sflag:s15] =	ssyncset.done $0x0  }
0x257: {  	[sflag:s15] =	ssyncadd.s32 $0xFFFFF800  }
0x258: {  	[tilespmem:s18], [sflag:$0x1] =	stream.indirect.gather [hbm4b:s4+s17], $0x80, s3, s17, $0xb8;
	[tilespmem:$0x1CC00] =	vst v63  }
0x259: {  	_ = 	snop  }
0x25a: {  	[tilespmem:s19], [sflag:$0x2] =	stream.indirect.gather [hbm4b:s4+s17], $0x80, s17, s17, $0xb8;
	[tilespmem:$0x1CC00] =	vst v63  }
0x25b: {  	_ =	swait.ge [sflag:s20], $0x4000  }
0x25c: {  	[sflag:s20] =	ssyncset.done $0x0  }
0x25d: {  	[sflag:s20] =	ssyncadd.s32 $0xFFFFC000  }
0x25e: {  	[spmem:s2] =	stream.indirect.scatter.add.f32 [tilespmem:s18], [sflag:$0x3], $0x80, s16, s17, $0xb8;
	[tilespmem:$0x1CC00] =	vst v63  }
0x25f: {  	_ =	swait.ge [sflag:s15], $0x4000  }
0x260: {  	[sflag:s15] =	ssyncset.done $0x0  }
0x261: {  	[sflag:s15] =	ssyncadd.s32 $0xFFFFC000  }
0x262: {  	[tilespmem:s18], [sflag:$0x1] =	stream.indirect.gather [hbm4b:s4+s17], $0x80, s8, s17, $0xb8;
	[tilespmem:$0x1CC00] =	vst v63  }
0x263: {  	_ =	swait.ge [sflag:s22], $0x4000  }
0x264: {  	[sflag:s22] =	ssyncset.done $0x0  }
0x265: {  	[sflag:s22] =	ssyncadd.s32 $0xFFFFC000  }
0x266: {  	[spmem:s2] =	stream.indirect.scatter.add.f32 [tilespmem:s19], [sflag:$0x3], $0x80, s11, s17, $0xb8;
	[tilespmem:$0x1CC00] =	vst v63  }
0x267: {  	_ =	swait.ge [sflag:s15], $0x4000  }
0x268: {  	[sflag:s15] =	ssyncset.done $0x0  }
0x269: {  	[sflag:s15] =	ssyncadd.s32 $0xFFFFC000  }
0x26a: {  	[tilespmem:s19], [sflag:$0x2] =	stream.indirect.gather [hbm4b:s4+s17], $0x80, s10, s17, $0xb8;
	[tilespmem:$0x1CC00] =	vst v63  }
0x26b: {  	_ =	swait.ge [sflag:s20], $0x4000  }
0x26c: {  	[sflag:s20] =	ssyncset.done $0x0  }
0x26d: {  	[sflag:s20] =	ssyncadd.s32 $0xFFFFC000  }
0x26e: {  	[spmem:s2] =	stream.indirect.scatter.add.f32 [tilespmem:s18], [sflag:$0x3], $0x80, s14, s17, $0xb8;
	[tilespmem:$0x1CC00] =	vst v63  }
0x26f: {  	_ =	swait.ge [sflag:s15], $0x4000  }
0x270: {  	[sflag:s15] =	ssyncset.done $0x0  }
0x271: {  	[sflag:s15] =	ssyncadd.s32 $0xFFFFC000  }
0x272: {  	[tilespmem:s18], [sflag:$0x1] =	stream.indirect.gather [hbm4b:s4+s17], $0x80, s21, s17, $0xb8;
	[tilespmem:$0x1CC00] =	vst v63  }
0x273: {  	_ =	swait.ge [sflag:s22], $0x4000  }
0x274: {  	[sflag:s22] =	ssyncset.done $0x0  }
0x275: {  	[sflag:s22] =	ssyncadd.s32 $0xFFFFC000  }
0x276: {  	[spmem:s2] =	stream.indirect.scatter.add.f32 [tilespmem:s19], [sflag:$0x3], $0x80, s23, s17, $0xb8;
	[tilespmem:$0x1CC00] =	vst v63  }
0x277: {  	_ =	swait.ge [sflag:s15], $0x4000  }
0x278: {  	[sflag:s15] =	ssyncset.done $0x0  }
0x279: {  	[sflag:s15] =	ssyncadd.s32 $0xFFFFC000  }
0x27a: {  	[tilespmem:s19], [sflag:$0x2] =	stream.indirect.gather [hbm4b:s4+s17], $0x80, s24, s17, $0xb8;
	[tilespmem:$0x1CC00] =	vst v63  }
0x27b: {  	_ =	swait.ge [sflag:s20], $0x4000  }
0x27c: {  	[sflag:s20] =	ssyncset.done $0x0  }
0x27d: {  	[sflag:s20] =	ssyncadd.s32 $0xFFFFC000  }
0x27e: {  	[spmem:s2] =	stream.indirect.scatter.add.f32 [tilespmem:s18], [sflag:$0x3], $0x80, s25, s17, $0xb8;
	[tilespmem:$0x1CC00] =	vst v63  }
0x27f: {  	_ =	swait.ge [sflag:s15], $0x4000  }
0x280: {  	[sflag:s15] =	ssyncset.done $0x0  }
0x281: {  	[sflag:s15] =	ssyncadd.s32 $0xFFFFC000  }
0x282: {  	[tilespmem:s18], [sflag:$0x1] =	stream.indirect.gather [hbm4b:s4+s17], $0x80, s26, s17, $0xb8;
	[tilespmem:$0x1CC00] =	vst v63  }
0x283: {  	_ =	swait.ge [sflag:s22], $0x4000  }
0x284: {  	[sflag:s22] =	ssyncset.done $0x0  }
0x285: {  	[sflag:s22] =	ssyncadd.s32 $0xFFFFC000  }
0x286: {  	[spmem:s2] =	stream.indirect.scatter.add.f32 [tilespmem:s19], [sflag:$0x3], $0x80, s28, s17, $0xb8;
	[tilespmem:$0x1CC00] =	vst v63  }
0x287: {  	_ =	swait.ge [sflag:s15], $0x4000  }
0x288: {  	[sflag:s15] =	ssyncset.done $0x0  }
0x289: {  	[sflag:s15] =	ssyncadd.s32 $0xFFFFC000  }
0x28a: {  	[tilespmem:s19], [sflag:$0x2] =	stream.indirect.gather [hbm4b:s4+s17], $0x80, s29, s17, $0xb8;
	[tilespmem:$0x1CC00] =	vst v63  }
0x28b: {  	_ =	swait.ge [sflag:s20], $0x4000  }
0x28c: {  	[sflag:s20] =	ssyncset.done $0x0  }
0x28d: {  	[sflag:s20] =	ssyncadd.s32 $0xFFFFC000  }
0x28e: {  	[spmem:s2] =	stream.indirect.scatter.add.f32 [tilespmem:s18], [sflag:$0x3], $0x80, s30, s17, $0xb8;
	[tilespmem:$0x1CC00] =	vst v63  }
0x28f: {  	_ =	swait.ge [sflag:s15], $0x4000  }
0x290: {  	[sflag:s15] =	ssyncset.done $0x0  }
0x291: {  	[sflag:s15] =	ssyncadd.s32 $0xFFFFC000  }
0x292: {  	[tilespmem:s18], [sflag:$0x1] =	stream.indirect.gather [hbm4b:s4+s17], $0x80, s31, s17, $0xb8;
	[tilespmem:$0x1CC00] =	vst v63  }
0x293: {  	_ =	swait.ge [sflag:s22], $0x4000  }
0x294: {  	[sflag:s22] =	ssyncset.done $0x0  }
0x295: {  	[sflag:s22] =	ssyncadd.s32 $0xFFFFC000  }
0x296: {  	[spmem:s2] =	stream.indirect.scatter.add.f32 [tilespmem:s19], [sflag:$0x3], $0x80, s0, s17, $0xb8;
	[tilespmem:$0x1CC00] =	vst v63  }
0x297: {  	_ =	swait.ge [sflag:s15], $0x4000  }
0x298: {  	[sflag:s15] =	ssyncset.done $0x0  }
0x299: {  	[sflag:s15] =	ssyncadd.s32 $0xFFFFC000  }
0x29a: {  	[tilespmem:s19], [sflag:$0x2] =	stream.indirect.gather [hbm4b:s4+s17], $0x80, s1, s17, $0xb8;
	[tilespmem:$0x1CC00] =	vst v63  }
0x29b: {  	_ =	swait.ge [sflag:s20], $0x4000  }
0x29c: {  	[sflag:s20] =	ssyncset.done $0x0  }
0x29d: {  	s7 =	simm.s32 $0xC00;
	[sflag:s20] =	ssyncadd.s32 $0xFFFFC000  }
0x29e: {  	[spmem:s2] =	stream.indirect.scatter.add.f32 [tilespmem:s18], [sflag:$0x3], $0x80, s7, s17, $0xb8;
	[tilespmem:$0x1CC00] =	vst v63  }
0x29f: {  	_ =	swait.ge [sflag:s15], $0x4000  }
0x2a0: {  	[sflag:s15] =	ssyncset.done $0x0  }
0x2a1: {  	s7 =	simm.s32 $0x500;
	[sflag:s15] =	ssyncadd.s32 $0xFFFFC000  }
0x2a2: {  	[tilespmem:s18], [sflag:$0x1] =	stream.indirect.gather [hbm4b:s4+s17], $0x80, s7, s17, $0xb8;
	[tilespmem:$0x1CC00] =	vst v63  }
0x2a3: {  	_ =	swait.ge [sflag:s22], $0x4000  }
0x2a4: {  	[sflag:s22] =	ssyncset.done $0x0  }
0x2a5: {  	s7 =	simm.s32 $0xC80;
	[sflag:s22] =	ssyncadd.s32 $0xFFFFC000  }
0x2a6: {  	[spmem:s2] =	stream.indirect.scatter.add.f32 [tilespmem:s19], [sflag:$0x3], $0x80, s7, s17, $0xb8;
	[tilespmem:$0x1CC00] =	vst v63  }
0x2a7: {  	_ =	swait.ge [sflag:s15], $0x4000  }
0x2a8: {  	[sflag:s15] =	ssyncset.done $0x0  }
0x2a9: {  	s7 =	simm.s32 $0x580;
	[sflag:s15] =	ssyncadd.s32 $0xFFFFC000  }
0x2aa: {  	[tilespmem:s19], [sflag:$0x2] =	stream.indirect.gather [hbm4b:s4+s17], $0x80, s7, s17, $0xb8;
	[tilespmem:$0x1CC00] =	vst v63  }
0x2ab: {  	_ =	swait.ge [sflag:s20], $0x4000  }
0x2ac: {  	[sflag:s20] =	ssyncset.done $0x0  }
0x2ad: {  	s7 =	simm.s32 $0xD00;
	[sflag:s20] =	ssyncadd.s32 $0xFFFFC000  }
0x2ae: {  	[spmem:s2] =	stream.indirect.scatter.add.f32 [tilespmem:s18], [sflag:$0x3], $0x80, s7, s17, $0xb8;
	[tilespmem:$0x1CC00] =	vst v63  }
0x2af: {  	_ =	swait.ge [sflag:s15], $0x4000  }
0x2b0: {  	[sflag:s15] =	ssyncset.done $0x0  }
0x2b1: {  	s7 =	simm.s32 $0x600;
	[sflag:s15] =	ssyncadd.s32 $0xFFFFC000  }
0x2b2: {  	[tilespmem:s18], [sflag:$0x1] =	stream.indirect.gather [hbm4b:s4+s17], $0x80, s7, s17, $0xb8;
	[tilespmem:$0x1CC00] =	vst v63  }
0x2b3: {  	_ =	swait.ge [sflag:s22], $0x4000  }
0x2b4: {  	[sflag:s22] =	ssyncset.done $0x0  }
0x2b5: {  	s7 =	simm.s32 $0xD80;
	[sflag:s22] =	ssyncadd.s32 $0xFFFFC000  }
0x2b6: {  	[spmem:s2] =	stream.indirect.scatter.add.f32 [tilespmem:s19], [sflag:$0x3], $0x80, s7, s17, $0xb8;
	[tilespmem:$0x1CC00] =	vst v63  }
0x2b7: {  	_ =	swait.ge [sflag:s15], $0x4000  }
0x2b8: {  	[sflag:s15] =	ssyncset.done $0x0  }
0x2b9: {  	s7 =	simm.s32 $0x680;
	[sflag:s15] =	ssyncadd.s32 $0xFFFFC000  }
0x2ba: {  	[tilespmem:s19], [sflag:$0x2] =	stream.indirect.gather [hbm4b:s4+s17], $0x80, s7, s17, $0xb8;
	[tilespmem:$0x1CC00] =	vst v63  }
0x2bb: {  	_ =	swait.ge [sflag:s20], $0x4000  }
0x2bc: {  	[sflag:s20] =	ssyncset.done $0x0  }
0x2bd: {  	s7 =	simm.s32 $0xE00;
	[sflag:s20] =	ssyncadd.s32 $0xFFFFC000  }
0x2be: {  	[spmem:s2] =	stream.indirect.scatter.add.f32 [tilespmem:s18], [sflag:$0x3], $0x80, s7, s17, $0xb8;
	[tilespmem:$0x1CC00] =	vst v63  }
0x2bf: {  	_ =	swait.ge [sflag:s15], $0x4000  }
0x2c0: {  	[sflag:s15] =	ssyncset.done $0x0  }
0x2c1: {  	s7 =	simm.s32 $0x700;
	[sflag:s15] =	ssyncadd.s32 $0xFFFFC000  }
0x2c2: {  	[tilespmem:s18], [sflag:$0x1] =	stream.indirect.gather [hbm4b:s4+s17], $0x80, s7, s17, $0xb8;
	[tilespmem:$0x1CC00] =	vst v63  }
0x2c3: {  	_ =	swait.ge [sflag:s22], $0x4000  }
0x2c4: {  	[sflag:s22] =	ssyncset.done $0x0  }
0x2c5: {  	s7 =	simm.s32 $0xE80;
	[sflag:s22] =	ssyncadd.s32 $0xFFFFC000  }
0x2c6: {  	[spmem:s2] =	stream.indirect.scatter.add.f32 [tilespmem:s19], [sflag:$0x3], $0x80, s7, s17, $0xb8;
	[tilespmem:$0x1CC00] =	vst v63  }
0x2c7: {  	_ =	swait.ge [sflag:s15], $0x4000  }
0x2c8: {  	[sflag:s15] =	ssyncset.done $0x0  }
0x2c9: {  	s7 =	simm.s32 $0x780;
	[sflag:s15] =	ssyncadd.s32 $0xFFFFC000  }
0x2ca: {  	[tilespmem:s19], [sflag:$0x2] =	stream.indirect.gather [hbm4b:s4+s17], $0x80, s7, s17, $0xb8;
	[tilespmem:$0x1CC00] =	vst v63  }
0x2cb: {  	_ =	swait.ge [sflag:s20], $0x4000  }
0x2cc: {  	[sflag:s20] =	ssyncset.done $0x0  }
0x2cd: {  	s7 =	simm.s32 $0xF00;
	[sflag:s20] =	ssyncadd.s32 $0xFFFFC000  }
0x2ce: {  	[spmem:s2] =	stream.indirect.scatter.add.f32 [tilespmem:s18], [sflag:$0x3], $0x80, s7, s17, $0xb8;
	[tilespmem:$0x1CC00] =	vst v63  }
0x2cf: {  	_ =	swait.ge [sflag:s15], $0x4000  }
0x2d0: {  	[sflag:s15] =	ssyncset.done $0x0  }
0x2d1: {  	[sflag:s15] =	ssyncadd.s32 $0xFFFFC000  }
0x2d2: {  	_ =	swait.ge [sflag:s22], $0x4000  }
.Ltmp5:
0x2d3: {  	[sflag:s22] =	ssyncset.done $0x0;
	(pc) =	sbr.rel @!p1 .LBB2_3-.Ltmp5, $4  }
0x2d4: {  	s7 =	simm.s32 $0xF80;
	[sflag:s22] =	ssyncadd.s32 $0xFFFFC000  }
0x2d5: {  	[spmem:s2] =	stream.indirect.scatter.add.f32 [tilespmem:s19], [sflag:$0x3], $0x80, s7, s17, $0xb8;
	[tilespmem:$0x1CC00] =	vst v63  }
0x2d6: {  	_ =	swait.ge [sflag:s15], $0x4000  }
0x2d7: {  	s7 =	smov.u32 s9;
	[sflag:s15] =	ssyncset.done $0x0  }
0x2d8: {  	s7 =	sadd.s32 s6, s13;
	[sflag:s15] =	ssyncadd.s32 $0xFFFFC000  }
0x2d9: {  	[tilespmem:s3], [sflag:$0x3] =	stream.linear.gather [hbm4b:s7+s3], $0x800, $0x38;
	[tilespmem:$0x1CC00] =	vst v63  }
0x2da: {  	_ =	swait.ge [sflag:s15], $0x800  }
0x2db: {  	[sflag:s15] =	ssyncset.done $0x0  }
0x2dc: {  	s9 =	sadd.s32 s6, s12;
	[sflag:s15] =	ssyncadd.s32 $0xFFFFF800  }
0x2dd: {  	[tilespmem:s16], [sflag:$0x3] =	stream.linear.gather [hbm4b:s9+s3], $0x800, $0x38;
	[tilespmem:$0x1CC00] =	vst v63  }
0x2de: {  	_ =	swait.ge [sflag:s15], $0x800  }
0x2df: {  	[sflag:s15] =	ssyncset.done $0x0  }
0x2e0: {  	[sflag:s15] =	ssyncadd.s32 $0xFFFFF800  }
0x2e1: {  	[tilespmem:s18], [sflag:$0x1] =	stream.indirect.gather [hbm4b:s4+s17], $0x80, s3, s17, $0xb8;
	[tilespmem:$0x1CC00] =	vst v63  }
0x2e2: {  	_ = 	snop  }
0x2e3: {  	[tilespmem:s19], [sflag:$0x2] =	stream.indirect.gather [hbm4b:s4+s17], $0x80, s17, s17, $0xb8;
	[tilespmem:$0x1CC00] =	vst v63  }
0x2e4: {  	_ =	swait.ge [sflag:s20], $0x4000  }
0x2e5: {  	[sflag:s20] =	ssyncset.done $0x0  }
0x2e6: {  	[sflag:s20] =	ssyncadd.s32 $0xFFFFC000  }
0x2e7: {  	[spmem:s2] =	stream.indirect.scatter.add.f32 [tilespmem:s18], [sflag:$0x3], $0x80, s16, s17, $0xb8;
	[tilespmem:$0x1CC00] =	vst v63  }
0x2e8: {  	_ =	swait.ge [sflag:s15], $0x4000  }
0x2e9: {  	[sflag:s15] =	ssyncset.done $0x0  }
0x2ea: {  	[sflag:s15] =	ssyncadd.s32 $0xFFFFC000  }
0x2eb: {  	[tilespmem:s18], [sflag:$0x1] =	stream.indirect.gather [hbm4b:s4+s17], $0x80, s8, s17, $0xb8;
	[tilespmem:$0x1CC00] =	vst v63  }
0x2ec: {  	_ =	swait.ge [sflag:s22], $0x4000  }
0x2ed: {  	[sflag:s22] =	ssyncset.done $0x0  }
0x2ee: {  	[sflag:s22] =	ssyncadd.s32 $0xFFFFC000  }
0x2ef: {  	[spmem:s2] =	stream.indirect.scatter.add.f32 [tilespmem:s19], [sflag:$0x3], $0x80, s11, s17, $0xb8;
	[tilespmem:$0x1CC00] =	vst v63  }
0x2f0: {  	_ =	swait.ge [sflag:s15], $0x4000  }
0x2f1: {  	[sflag:s15] =	ssyncset.done $0x0  }
0x2f2: {  	[sflag:s15] =	ssyncadd.s32 $0xFFFFC000  }
0x2f3: {  	[tilespmem:s19], [sflag:$0x2] =	stream.indirect.gather [hbm4b:s4+s17], $0x80, s10, s17, $0xb8;
	[tilespmem:$0x1CC00] =	vst v63  }
0x2f4: {  	_ =	swait.ge [sflag:s20], $0x4000  }
0x2f5: {  	[sflag:s20] =	ssyncset.done $0x0  }
0x2f6: {  	[sflag:s20] =	ssyncadd.s32 $0xFFFFC000  }
0x2f7: {  	[spmem:s2] =	stream.indirect.scatter.add.f32 [tilespmem:s18], [sflag:$0x3], $0x80, s14, s17, $0xb8;
	[tilespmem:$0x1CC00] =	vst v63  }
0x2f8: {  	_ =	swait.ge [sflag:s15], $0x4000  }
0x2f9: {  	[sflag:s15] =	ssyncset.done $0x0  }
0x2fa: {  	[sflag:s15] =	ssyncadd.s32 $0xFFFFC000  }
0x2fb: {  	[tilespmem:s18], [sflag:$0x1] =	stream.indirect.gather [hbm4b:s4+s17], $0x80, s21, s17, $0xb8;
	[tilespmem:$0x1CC00] =	vst v63  }
0x2fc: {  	_ =	swait.ge [sflag:s22], $0x4000  }
0x2fd: {  	[sflag:s22] =	ssyncset.done $0x0  }
0x2fe: {  	[sflag:s22] =	ssyncadd.s32 $0xFFFFC000  }
0x2ff: {  	[spmem:s2] =	stream.indirect.scatter.add.f32 [tilespmem:s19], [sflag:$0x3], $0x80, s23, s17, $0xb8;
	[tilespmem:$0x1CC00] =	vst v63  }
0x300: {  	_ =	swait.ge [sflag:s15], $0x4000  }
0x301: {  	[sflag:s15] =	ssyncset.done $0x0  }
0x302: {  	[sflag:s15] =	ssyncadd.s32 $0xFFFFC000  }
0x303: {  	[tilespmem:s19], [sflag:$0x2] =	stream.indirect.gather [hbm4b:s4+s17], $0x80, s24, s17, $0xb8;
	[tilespmem:$0x1CC00] =	vst v63  }
0x304: {  	_ =	swait.ge [sflag:s20], $0x4000  }
0x305: {  	[sflag:s20] =	ssyncset.done $0x0  }
0x306: {  	[sflag:s20] =	ssyncadd.s32 $0xFFFFC000  }
0x307: {  	[spmem:s2] =	stream.indirect.scatter.add.f32 [tilespmem:s18], [sflag:$0x3], $0x80, s25, s17, $0xb8;
	[tilespmem:$0x1CC00] =	vst v63  }
0x308: {  	_ =	swait.ge [sflag:s15], $0x4000  }
0x309: {  	[sflag:s15] =	ssyncset.done $0x0  }
0x30a: {  	[sflag:s15] =	ssyncadd.s32 $0xFFFFC000  }
0x30b: {  	[tilespmem:s18], [sflag:$0x1] =	stream.indirect.gather [hbm4b:s4+s17], $0x80, s26, s17, $0xb8;
	[tilespmem:$0x1CC00] =	vst v63  }
0x30c: {  	_ =	swait.ge [sflag:s22], $0x4000  }
0x30d: {  	[sflag:s22] =	ssyncset.done $0x0  }
0x30e: {  	[sflag:s22] =	ssyncadd.s32 $0xFFFFC000  }
0x30f: {  	[spmem:s2] =	stream.indirect.scatter.add.f32 [tilespmem:s19], [sflag:$0x3], $0x80, s28, s17, $0xb8;
	[tilespmem:$0x1CC00] =	vst v63  }
0x310: {  	_ =	swait.ge [sflag:s15], $0x4000  }
0x311: {  	[sflag:s15] =	ssyncset.done $0x0  }
0x312: {  	[sflag:s15] =	ssyncadd.s32 $0xFFFFC000  }
0x313: {  	[tilespmem:s19], [sflag:$0x2] =	stream.indirect.gather [hbm4b:s4+s17], $0x80, s29, s17, $0xb8;
	[tilespmem:$0x1CC00] =	vst v63  }
0x314: {  	_ =	swait.ge [sflag:s20], $0x4000  }
0x315: {  	[sflag:s20] =	ssyncset.done $0x0  }
0x316: {  	[sflag:s20] =	ssyncadd.s32 $0xFFFFC000  }
0x317: {  	[spmem:s2] =	stream.indirect.scatter.add.f32 [tilespmem:s18], [sflag:$0x3], $0x80, s30, s17, $0xb8;
	[tilespmem:$0x1CC00] =	vst v63  }
0x318: {  	_ =	swait.ge [sflag:s15], $0x4000  }
0x319: {  	[sflag:s15] =	ssyncset.done $0x0  }
0x31a: {  	[sflag:s15] =	ssyncadd.s32 $0xFFFFC000  }
0x31b: {  	[tilespmem:s18], [sflag:$0x1] =	stream.indirect.gather [hbm4b:s4+s17], $0x80, s31, s17, $0xb8;
	[tilespmem:$0x1CC00] =	vst v63  }
0x31c: {  	_ =	swait.ge [sflag:s22], $0x4000  }
0x31d: {  	[sflag:s22] =	ssyncset.done $0x0  }
0x31e: {  	[sflag:s22] =	ssyncadd.s32 $0xFFFFC000  }
0x31f: {  	[spmem:s2] =	stream.indirect.scatter.add.f32 [tilespmem:s19], [sflag:$0x3], $0x80, s0, s17, $0xb8;
	[tilespmem:$0x1CC00] =	vst v63  }
0x320: {  	_ =	swait.ge [sflag:s15], $0x4000  }
0x321: {  	[sflag:s15] =	ssyncset.done $0x0  }
0x322: {  	[sflag:s15] =	ssyncadd.s32 $0xFFFFC000  }
0x323: {  	[tilespmem:s19], [sflag:$0x2] =	stream.indirect.gather [hbm4b:s4+s17], $0x80, s1, s17, $0xb8;
	[tilespmem:$0x1CC00] =	vst v63  }
0x324: {  	_ =	swait.ge [sflag:s20], $0x4000  }
0x325: {  	[sflag:s20] =	ssyncset.done $0x0  }
0x326: {  	s6 =	simm.s32 $0xC00;
	[sflag:s20] =	ssyncadd.s32 $0xFFFFC000  }
0x327: {  	[spmem:s2] =	stream.indirect.scatter.add.f32 [tilespmem:s18], [sflag:$0x3], $0x80, s6, s17, $0xb8;
	[tilespmem:$0x1CC00] =	vst v63  }
0x328: {  	_ =	swait.ge [sflag:s15], $0x4000  }
0x329: {  	[sflag:s15] =	ssyncset.done $0x0  }
0x32a: {  	s7 =	simm.s32 $0x500;
	[sflag:s15] =	ssyncadd.s32 $0xFFFFC000  }
0x32b: {  	[tilespmem:s18], [sflag:$0x1] =	stream.indirect.gather [hbm4b:s4+s17], $0x80, s7, s17, $0xb8;
	[tilespmem:$0x1CC00] =	vst v63  }
0x32c: {  	_ =	swait.ge [sflag:s22], $0x4000  }
0x32d: {  	[sflag:s22] =	ssyncset.done $0x0  }
0x32e: {  	s9 =	simm.s32 $0xC80;
	[sflag:s22] =	ssyncadd.s32 $0xFFFFC000  }
0x32f: {  	[spmem:s2] =	stream.indirect.scatter.add.f32 [tilespmem:s19], [sflag:$0x3], $0x80, s9, s17, $0xb8;
	[tilespmem:$0x1CC00] =	vst v63  }
0x330: {  	_ =	swait.ge [sflag:s15], $0x4000  }
0x331: {  	[sflag:s15] =	ssyncset.done $0x0  }
0x332: {  	s10 =	simm.s32 $0x580;
	[sflag:s15] =	ssyncadd.s32 $0xFFFFC000  }
0x333: {  	[tilespmem:s19], [sflag:$0x2] =	stream.indirect.gather [hbm4b:s4+s17], $0x80, s10, s17, $0xb8;
	[tilespmem:$0x1CC00] =	vst v63  }
0x334: {  	_ =	swait.ge [sflag:s20], $0x4000  }
0x335: {  	[sflag:s20] =	ssyncset.done $0x0  }
0x336: {  	s14 =	simm.s32 $0xD00;
	[sflag:s20] =	ssyncadd.s32 $0xFFFFC000  }
0x337: {  	[spmem:s2] =	stream.indirect.scatter.add.f32 [tilespmem:s18], [sflag:$0x3], $0x80, s14, s17, $0xb8;
	[tilespmem:$0x1CC00] =	vst v63  }
0x338: {  	_ =	swait.ge [sflag:s15], $0x4000  }
0x339: {  	[sflag:s15] =	ssyncset.done $0x0  }
0x33a: {  	s21 =	simm.s32 $0x600;
	[sflag:s15] =	ssyncadd.s32 $0xFFFFC000  }
0x33b: {  	[tilespmem:s18], [sflag:$0x1] =	stream.indirect.gather [hbm4b:s4+s17], $0x80, s21, s17, $0xb8;
	[tilespmem:$0x1CC00] =	vst v63  }
0x33c: {  	_ =	swait.ge [sflag:s22], $0x4000  }
0x33d: {  	[sflag:s22] =	ssyncset.done $0x0  }
0x33e: {  	s23 =	simm.s32 $0xD80;
	[sflag:s22] =	ssyncadd.s32 $0xFFFFC000  }
0x33f: {  	[spmem:s2] =	stream.indirect.scatter.add.f32 [tilespmem:s19], [sflag:$0x3], $0x80, s23, s17, $0xb8;
	[tilespmem:$0x1CC00] =	vst v63  }
0x340: {  	_ =	swait.ge [sflag:s15], $0x4000  }
0x341: {  	[sflag:s15] =	ssyncset.done $0x0  }
0x342: {  	s24 =	simm.s32 $0x680;
	[sflag:s15] =	ssyncadd.s32 $0xFFFFC000  }
0x343: {  	[tilespmem:s19], [sflag:$0x2] =	stream.indirect.gather [hbm4b:s4+s17], $0x80, s24, s17, $0xb8;
	[tilespmem:$0x1CC00] =	vst v63  }
0x344: {  	_ =	swait.ge [sflag:s20], $0x4000  }
0x345: {  	[sflag:s20] =	ssyncset.done $0x0  }
0x346: {  	s25 =	simm.s32 $0xE00;
	[sflag:s20] =	ssyncadd.s32 $0xFFFFC000  }
0x347: {  	[spmem:s2] =	stream.indirect.scatter.add.f32 [tilespmem:s18], [sflag:$0x3], $0x80, s25, s17, $0xb8;
	[tilespmem:$0x1CC00] =	vst v63  }
0x348: {  	_ =	swait.ge [sflag:s15], $0x4000  }
0x349: {  	[sflag:s15] =	ssyncset.done $0x0  }
0x34a: {  	s26 =	simm.s32 $0x700;
	[sflag:s15] =	ssyncadd.s32 $0xFFFFC000  }
0x34b: {  	[tilespmem:s18], [sflag:$0x1] =	stream.indirect.gather [hbm4b:s4+s17], $0x80, s26, s17, $0xb8;
	[tilespmem:$0x1CC00] =	vst v63  }
0x34c: {  	_ =	swait.ge [sflag:s22], $0x4000  }
0x34d: {  	[sflag:s22] =	ssyncset.done $0x0  }
0x34e: {  	s28 =	simm.s32 $0xE80;
	[sflag:s22] =	ssyncadd.s32 $0xFFFFC000  }
0x34f: {  	[spmem:s2] =	stream.indirect.scatter.add.f32 [tilespmem:s19], [sflag:$0x3], $0x80, s28, s17, $0xb8;
	[tilespmem:$0x1CC00] =	vst v63  }
0x350: {  	_ =	swait.ge [sflag:s15], $0x4000  }
0x351: {  	[sflag:s15] =	ssyncset.done $0x0  }
0x352: {  	s29 =	simm.s32 $0x780;
	[sflag:s15] =	ssyncadd.s32 $0xFFFFC000  }
0x353: {  	[tilespmem:s19], [sflag:$0x2] =	stream.indirect.gather [hbm4b:s4+s17], $0x80, s29, s17, $0xb8;
	[tilespmem:$0x1CC00] =	vst v63  }
0x354: {  	_ =	swait.ge [sflag:s20], $0x4000  }
0x355: {  	[sflag:s20] =	ssyncset.done $0x0  }
0x356: {  	s30 =	simm.s32 $0xF00;
	[sflag:s20] =	ssyncadd.s32 $0xFFFFC000  }
0x357: {  	[spmem:s2] =	stream.indirect.scatter.add.f32 [tilespmem:s18], [sflag:$0x3], $0x80, s30, s17, $0xb8;
	[tilespmem:$0x1CC00] =	vst v63  }
0x358: {  	_ =	swait.ge [sflag:s15], $0x4000  }
0x359: {  	[sflag:s15] =	ssyncset.done $0x0  }
0x35a: {  	[sflag:s15] =	ssyncadd.s32 $0xFFFFC000  }
0x35b: {  	_ =	swait.ge [sflag:s22], $0x4000  }
0x35c: {  	[sflag:s22] =	ssyncset.done $0x0  }
.Ltmp6:
0x35d: {  	s31 =	simm.s32 $0xF80;
	[sflag:s22] =	ssyncadd.s32 $0xFFFFC000;
	(pc) =	sbr.rel .LBB2_8-.Ltmp6, $4  }
0x35e: {  	[spmem:s2] =	stream.indirect.scatter.add.f32 [tilespmem:s19], [sflag:$0x3], $0x80, s31, s17, $0xb8;
	[tilespmem:$0x1CC00] =	vst v63  }
0x35f: {  	_ =	swait.ge [sflag:s15], $0x4000  }
0x360: {  	[sflag:s15] =	ssyncset.done $0x0;
	s6 =	rddreg [dreg:$0x4]  }
0x361: {  	s0 =	rddreg [dreg:$0xb];
	[sflag:s15] =	ssyncadd.s32 $0xFFFFC000  }
.LBB2_9:
0x362: {  	_ =	sfence.sel $0x180000  }
0x363: {  	[bflag:$0x0] =	sbarrier.arrive $0xFFFF  }
0x364: {  	_ =	strace $0x9000004A  }
0x365: {  	s0 =	stileid.u32;
	[bflag:$0x2] =	sbarrier.arrive $0xFFFF  }
0x366: {  	p0 =	sne.s32 s0, $0x0;
	s0 =	rddreg [dreg:$0x3]  }
0x367: {  	s0 =	sadd.s32 @!p0 $0x100000, s0  }
0x368: {  	[sflag:s0] =	ssyncadd.tile.s32 @!p0 $0x1;
	_ =	shalt  }
.Lfunc_end2:
_tile_overlayer_lowered:
.L_overlay_start_2:
0x369: {  	(tag) =	ssettag $0x2  }
0x36a: {  	s0 =	rddreg [dreg:$0x0];
	s2 =	stileid.u32  }
0x36b: {  	s1 =	rddreg [dreg:$0x1];
	p0 =	sne.s32 s2, $0x0  }
0x36c: {  	s3 =	rddreg [dreg:$0x2];
	[bflag:$0x3] =	sbarrier.arrive $0xFFFF;
	s2 =	simm.s32 @!p0 $0x1C03  }
0x36d: {  	[timem:s3], [sflag:s2] =	dma.local @!p0 [hbm:s0], s1  }
0x36e: {  	s0 =	simm.s32 @!p0 $0x3  }
0x36f: {  	_ =	swait.ge @!p0 [sflag:s0], s1  }
0x370: {  	s1 =	ssub.s32 @!p0 $0x0, s1;
	[sflag:s0] =	ssyncset.done @!p0 $0x0  }
0x371: {  	[sflag:s0] =	ssyncadd.s32 @!p0 s1  }
0x372: {  	[bflag:$0x3] =	sbarrier.arrive $0xFFFF  }
0x373: {  	_ =	shalt  }

</sc_bundles>
